<compile_context>
chip_gen: v7x
topology: tpu7x:2x2x1
jax: 0.10.2.dev20260603
libtpu: 0.0.44.dev20260713+nightly
codegen_flags: <defaults>
</compile_context>

<pallas_src>
import functools

import jax
import jax.numpy as jnp
from jax import lax
from jax.experimental import pallas as pl
from jax.experimental.pallas import tpu as pltpu
from jax.experimental.pallas import tpu_sc as plsc

DIM = 2048
NC = 2
NS = 16
NW = NC * NS

CHUNK = 8
NBUF = 4


@functools.lru_cache(maxsize=None)
def _make_gather(batch, seq):
    B = batch * seq
    b_per_w = B // NW
    assert seq % b_per_w == 0
    n_chunks = b_per_w // CHUNK
    assert n_chunks % NBUF == 0
    mesh = plsc.VectorSubcoreMesh(core_axis_name="c", subcore_axis_name="s")

    @functools.partial(
        pl.kernel,
        mesh=mesh,
        out_type=jax.ShapeDtypeStruct((B, DIM), jnp.float32),
        scratch_types=[
            pltpu.VMEM((b_per_w,), jnp.int32),
            pltpu.VMEM((NBUF, CHUNK, DIM), jnp.float32),
        ]
        + [pltpu.SemaphoreType.DMA] * (2 * NBUF),
    )
    def gather_kernel(idx_hbm, table_hbm, out_hbm, idx_v, buf_v, *sems):
        gsems, wsems = sems[:NBUF], sems[NBUF:]
        wid = lax.axis_index("s") * NC + lax.axis_index("c")
        base = wid * b_per_w
        pltpu.sync_copy(
            idx_hbm.at[base // seq, pl.ds(base % seq, b_per_w)], idx_v
        )

        def gather_desc(g, b):
            return pltpu.make_async_copy(
                table_hbm.at[idx_v.at[pl.ds(g * CHUNK, CHUNK)]],
                buf_v.at[b],
                gsems[b],
            )

        def write_desc(g, b):
            return pltpu.make_async_copy(
                buf_v.at[b],
                out_hbm.at[pl.ds(base + g * CHUNK, CHUNK)],
                wsems[b],
            )

        gather_desc(0, 0).start()
        gather_desc(1, 1).start()

        def outer(i, carry):
            for j in range(NBUF):
                g = NBUF * i + j
                gather_desc(g, j).wait()
                write_desc(g, j).start()

                bn = (j + 2) % NBUF

                @pl.when(g >= 2)
                def _(g=g, bn=bn):
                    write_desc(g - 2, bn).wait()

                @pl.when(g + 2 < n_chunks)
                def _(g=g, bn=bn):
                    gather_desc(g + 2, bn).start()

            return carry

        lax.fori_loop(0, n_chunks // NBUF, outer, 0)
        write_desc(n_chunks - 2, (n_chunks - 2) % NBUF).wait()
        write_desc(n_chunks - 1, (n_chunks - 1) % NBUF).wait()

    return gather_kernel


@jax.jit
def kernel(x, table):
    idx = x.astype(jnp.int32)
    out = _make_gather(*idx.shape)(idx, table)
    return out.reshape(*x.shape, DIM)

# --- scband reference (transcript-rebuilt; emitter-appended) ---
"""Pipeline reference for scband-tt-mistral-embedding-84052509983317 (READ-ONLY COPY).

The authoritative reference and input builder live on the scoring server;
editing this copy changes nothing except your own understanding.
"""

import jax, jax.numpy as jnp
import numpy as np

VOCAB = 32000
DIM = 2048
BATCH = 4
SEQ = 4096

def setup_inputs(seed: int = 0) -> dict:
    key = jax.random.key(seed)
    k_idx, k_tab = jax.random.split(key)
    x = jax.random.randint(k_idx, (BATCH, SEQ), 0, VOCAB, dtype=jnp.int64 if jax.config.jax_enable_x64 else jnp.int32)
    table = jax.random.normal(k_tab, (VOCAB, DIM), dtype=jnp.float32) * 0.02
    return {"x": x, "table": table}

def reference(x, table):
    # ttnn.embedding(x, weights) == row-gather from the embedding table
    return jnp.take(table, x, axis=0)

if __name__ == "__main__":
    import jax
    _d = setup_inputs()
    print(jax.jit(kernel)(*tuple(_d.values())))

</pallas_src>

<mosaic_0001>
#map = affine_map<(d0, d1) -> (0, 0)>
module attributes {stable_mosaic.version = 14 : i64} {
  func.func @gather_kernel(%arg0: i32, %arg1: i32, %arg2: memref<4x4096xi32, #tpu.memory_space<hbm>>, %arg3: memref<32000x2048xf32, #tpu.memory_space<hbm>>, %arg4: memref<16384x2048xf32, #tpu.memory_space<hbm>>, %arg5: memref<512xi32, #tpu.memory_space<vmem>>, %arg6: memref<4x8x2048xf32, #tpu.memory_space<vmem>>, %arg7: memref<!tpu.dma_semaphore, #tpu.memory_space<semaphore_mem>>, %arg8: memref<!tpu.dma_semaphore, #tpu.memory_space<semaphore_mem>>, %arg9: memref<!tpu.dma_semaphore, #tpu.memory_space<semaphore_mem>>, %arg10: memref<!tpu.dma_semaphore, #tpu.memory_space<semaphore_mem>>, %arg11: memref<!tpu.dma_semaphore, #tpu.memory_space<semaphore_mem>>, %arg12: memref<!tpu.dma_semaphore, #tpu.memory_space<semaphore_mem>>, %arg13: memref<!tpu.dma_semaphore, #tpu.memory_space<semaphore_mem>>, %arg14: memref<!tpu.dma_semaphore, #tpu.memory_space<semaphore_mem>>) attributes {dimension_semantics = [#tpu.dimension_semantics<core_parallel>, #tpu.dimension_semantics<subcore_parallel>], iteration_bounds = array<i64: 2, 16>, scalar_prefetch = 0 : i64, scratch_operands = 10 : i64, tpu.core_type = #tpu.core_type<sc_vector_subcore>, window_params = [{transform_indices = #map}, {transform_indices = #map}, {transform_indices = #map}]} {
    %mul3A = arith.constant 2 : i32
    %mul3A_0 = arith.muli %arg1, %mul3A : i32
    %add3A = arith.addi %mul3A_0, %arg0 : i32
    %mul3A_1 = arith.constant 512 : i32
    %mul3A_2 = arith.muli %add3A, %mul3A_1 : i32
    %jit3A = arith.constant 4096 : i32
    %div3A = arith.divsi %mul3A_2, %jit3A : i32
    %sign3A = arith.constant 0 : i32
    %sign3A_3 = arith.cmpi sgt, %mul3A_2, %sign3A : i32
    %sign3A_4 = arith.extui %sign3A_3 : i1 to i32
    %sign3A_5 = arith.constant 0 : i32
    %sign3A_6 = arith.cmpi slt, %mul3A_2, %sign3A_5 : i32
    %sign3A_7 = arith.extui %sign3A_6 : i1 to i32
    %sign3A_8 = arith.subi %sign3A_4, %sign3A_7 : i32
    %sign3A_9 = arith.constant 0 : i32
    %sign3A_10 = arith.cmpi sgt, %jit3A, %sign3A_9 : i32
    %sign3A_11 = arith.extui %sign3A_10 : i1 to i32
    %sign3A_12 = arith.constant 0 : i32
    %sign3A_13 = arith.cmpi slt, %jit3A, %sign3A_12 : i32
    %sign3A_14 = arith.extui %sign3A_13 : i1 to i32
    %sign3A_15 = arith.subi %sign3A_11, %sign3A_14 : i32
    %ne3A = arith.cmpi ne, %sign3A_8, %sign3A_15 : i32
    %rem3A = arith.remsi %mul3A_2, %jit3A : i32
    %ne3A_16 = arith.constant 0 : i32
    %ne3A_17 = arith.cmpi ne, %rem3A, %ne3A_16 : i32
    %and3A = arith.andi %ne3A, %ne3A_17 : i1
    %sub3A = arith.constant 1 : i32
    %sub3A_18 = arith.subi %div3A, %sub3A : i32
    %select_n3A = arith.select %and3A, %sub3A_18, %div3A : i32
    %jit3A_19 = arith.constant 4096 : i32
    %eq3A = arith.constant 0 : i32
    %eq3A_20 = arith.cmpi eq, %jit3A_19, %eq3A : i32
    %jit3A_21 = arith.constant 1 : i32
    %select_n3A_22 = arith.select %eq3A_20, %jit3A_21, %jit3A_19 : i32
    %rem3A_23 = arith.remsi %mul3A_2, %select_n3A_22 : i32
    %ne3A_24 = arith.constant 0 : i32
    %ne3A_25 = arith.cmpi ne, %rem3A_23, %ne3A_24 : i32
    %lt3A = arith.constant 0 : i32
    %lt3A_26 = arith.cmpi slt, %rem3A_23, %lt3A : i32
    %lt3A_27 = arith.constant 0 : i32
    %lt3A_28 = arith.cmpi slt, %select_n3A_22, %lt3A_27 : i32
    %ne3A_29 = arith.xori %lt3A_26, %lt3A_28 : i1
    %and3A_30 = arith.andi %ne3A_29, %ne3A_25 : i1
    %add3A_31 = arith.addi %rem3A_23, %select_n3A_22 : i32
    %select_n3A_32 = arith.select %and3A_30, %add3A_31, %rem3A_23 : i32
    "tpu.region"() ({
      %run_scoped3A = tpu.sem_alloc : memref<!tpu.dma_semaphore, #tpu.memory_space<semaphore_mem>>
      %dma_start3A_86 = tpu.memref_slice %arg2[%select_n3A, %select_n3A_32] : memref<4x4096xi32, #tpu.memory_space<hbm>> -> memref<1x512xi32, #tpu.memory_space<hbm>>
      %dma_start3A_87 = tpu.memref_squeeze %dma_start3A_86 : memref<1x512xi32, #tpu.memory_space<hbm>> -> memref<512xi32, #tpu.memory_space<hbm>>
      %dma_start3A_88 = tpu.memref_slice %arg2[%select_n3A, %select_n3A_32] : memref<4x4096xi32, #tpu.memory_space<hbm>> -> memref<1x512xi32, #tpu.memory_space<hbm>>
      %dma_start3A_89 = tpu.memref_squeeze %dma_start3A_88 : memref<1x512xi32, #tpu.memory_space<hbm>> -> memref<512xi32, #tpu.memory_space<hbm>>
      tpu.enqueue_dma source(%dma_start3A_89 : memref<512xi32, #tpu.memory_space<hbm>>) target(%arg5 : memref<512xi32, #tpu.memory_space<vmem>>) target_semaphore(%run_scoped3A : memref<!tpu.dma_semaphore, #tpu.memory_space<semaphore_mem>>)
      %dma_wait3A_90 = tpu.memref_slice %arg2[%select_n3A, %select_n3A_32] : memref<4x4096xi32, #tpu.memory_space<hbm>> -> memref<1x512xi32, #tpu.memory_space<hbm>>
      %dma_wait3A_91 = tpu.memref_squeeze %dma_wait3A_90 : memref<1x512xi32, #tpu.memory_space<hbm>> -> memref<512xi32, #tpu.memory_space<hbm>>
      %dma_wait3A_92 = tpu.memref_slice %arg2[%select_n3A, %select_n3A_32] : memref<4x4096xi32, #tpu.memory_space<hbm>> -> memref<1x512xi32, #tpu.memory_space<hbm>>
      %dma_wait3A_93 = tpu.memref_squeeze %dma_wait3A_92 : memref<1x512xi32, #tpu.memory_space<hbm>> -> memref<512xi32, #tpu.memory_space<hbm>>
      tpu.wait_dma2 semaphore(%run_scoped3A : memref<!tpu.dma_semaphore, #tpu.memory_space<semaphore_mem>>) src(%dma_wait3A_93 : memref<512xi32, #tpu.memory_space<hbm>>) dst(%arg5 : memref<512xi32, #tpu.memory_space<vmem>>)
      tpu.yield
    }) : () -> ()
    %dma_start3A = arith.constant 0 : i32
    %dma_start3A_33 = arith.constant 0 : i32
    %dma_start3A_34 = arith.constant 0 : i32
    %dma_start3A_35 = tpu.memref_slice %arg6[%dma_start3A, %dma_start3A_33, %dma_start3A_34] : memref<4x8x2048xf32, #tpu.memory_space<vmem>> -> memref<1x8x2048xf32, #tpu.memory_space<vmem>>
    %dma_start3A_36 = tpu.memref_squeeze %dma_start3A_35 : memref<1x8x2048xf32, #tpu.memory_space<vmem>> -> memref<8x2048xf32, #tpu.memory_space<vmem>>
    %dma_start3A_37 = arith.constant 0 : i32
    %dma_start3A_38 = tpu.memref_slice %arg5[%dma_start3A_37] : memref<512xi32, #tpu.memory_space<vmem>> -> memref<8xi32, #tpu.memory_space<vmem>>
    %dma_start3A_39 = arith.constant 0 : i32
    %dma_start3A_40 = arith.constant 0 : i32
    %dma_start3A_41 = tpu.memref_slice %arg3[%dma_start3A_39, %dma_start3A_40] : memref<32000x2048xf32, #tpu.memory_space<hbm>> -> memref<32000x2048xf32, #tpu.memory_space<hbm>>
    tpu.enqueue_indirect_dma source(%dma_start3A_41 : memref<32000x2048xf32, #tpu.memory_space<hbm>>) target(%dma_start3A_36 : memref<8x2048xf32, #tpu.memory_space<vmem>>) offsets(%dma_start3A_38 : memref<8xi32, #tpu.memory_space<vmem>>) semaphore(%arg7 : memref<!tpu.dma_semaphore, #tpu.memory_space<semaphore_mem>>)
    %dma_start3A_42 = arith.constant 1 : i32
    %dma_start3A_43 = arith.constant 0 : i32
    %dma_start3A_44 = arith.constant 0 : i32
    %dma_start3A_45 = tpu.memref_slice %arg6[%dma_start3A_42, %dma_start3A_43, %dma_start3A_44] : memref<4x8x2048xf32, #tpu.memory_space<vmem>> -> memref<1x8x2048xf32, #tpu.memory_space<vmem>>
    %dma_start3A_46 = tpu.memref_squeeze %dma_start3A_45 : memref<1x8x2048xf32, #tpu.memory_space<vmem>> -> memref<8x2048xf32, #tpu.memory_space<vmem>>
    %dma_start3A_47 = arith.constant 8 : i32
    %dma_start3A_48 = tpu.memref_slice %arg5[%dma_start3A_47] : memref<512xi32, #tpu.memory_space<vmem>> -> memref<8xi32, #tpu.memory_space<vmem>>
    %dma_start3A_49 = arith.constant 0 : i32
    %dma_start3A_50 = arith.constant 0 : i32
    %dma_start3A_51 = tpu.memref_slice %arg3[%dma_start3A_49, %dma_start3A_50] : memref<32000x2048xf32, #tpu.memory_space<hbm>> -> memref<32000x2048xf32, #tpu.memory_space<hbm>>
    tpu.enqueue_indirect_dma source(%dma_start3A_51 : memref<32000x2048xf32, #tpu.memory_space<hbm>>) target(%dma_start3A_46 : memref<8x2048xf32, #tpu.memory_space<vmem>>) offsets(%dma_start3A_48 : memref<8xi32, #tpu.memory_space<vmem>>) semaphore(%arg8 : memref<!tpu.dma_semaphore, #tpu.memory_space<semaphore_mem>>)
    %scan3A = arith.constant 0 : i32
    %scan3A_52 = arith.constant 0 : i32
    %scan3A_53 = arith.constant 16 : i32
    %scan3A_54 = arith.addi %scan3A_52, %scan3A_53 : i32
    %scan3A_55 = arith.constant 1 : i32
    scf.for %scan3A_86 = %scan3A_52 to %scan3A_54 step %scan3A_55  : i32 {
      %mul3A_87 = arith.constant 4 : i32
      %mul3A_88 = arith.muli %mul3A_87, %scan3A_86 : i32
      %add3A_89 = arith.constant 0 : i32
      %add3A_90 = arith.addi %mul3A_88, %add3A_89 : i32
      %mul3A_91 = arith.constant 8 : i32
      %mul3A_92 = arith.muli %add3A_90, %mul3A_91 : i32
      %dma_wait3A_93 = arith.constant 0 : i32
      %dma_wait3A_94 = arith.constant 0 : i32
      %dma_wait3A_95 = arith.constant 0 : i32
      %dma_wait3A_96 = tpu.memref_slice %arg6[%dma_wait3A_93, %dma_wait3A_94, %dma_wait3A_95] : memref<4x8x2048xf32, #tpu.memory_space<vmem>> -> memref<1x8x2048xf32, #tpu.memory_space<vmem>>
      %dma_wait3A_97 = tpu.memref_squeeze %dma_wait3A_96 : memref<1x8x2048xf32, #tpu.memory_space<vmem>> -> memref<8x2048xf32, #tpu.memory_space<vmem>>
      %dma_wait3A_98 = tpu.memref_slice %arg5[%mul3A_92] : memref<512xi32, #tpu.memory_space<vmem>> -> memref<8xi32, #tpu.memory_space<vmem>>
      %dma_wait3A_99 = arith.constant 0 : i32
      %dma_wait3A_100 = arith.constant 0 : i32
      %dma_wait3A_101 = tpu.memref_slice %arg3[%dma_wait3A_99, %dma_wait3A_100] : memref<32000x2048xf32, #tpu.memory_space<hbm>> -> memref<32000x2048xf32, #tpu.memory_space<hbm>>
      tpu.wait_indirect_dma semaphore(%arg7 : memref<!tpu.dma_semaphore, #tpu.memory_space<semaphore_mem>>) src(%dma_wait3A_101 : memref<32000x2048xf32, #tpu.memory_space<hbm>>) dst(%dma_wait3A_97 : memref<8x2048xf32, #tpu.memory_space<vmem>>)
      %mul3A_102 = arith.constant 8 : i32
      %mul3A_103 = arith.muli %add3A_90, %mul3A_102 : i32
      %add3A_104 = arith.addi %mul3A_2, %mul3A_103 : i32
      %dma_start3A_105 = arith.constant 0 : i32
      %dma_start3A_106 = arith.constant 0 : i32
      %dma_start3A_107 = arith.constant 0 : i32
      %dma_start3A_108 = tpu.memref_slice %arg6[%dma_start3A_105, %dma_start3A_106, %dma_start3A_107] : memref<4x8x2048xf32, #tpu.memory_space<vmem>> -> memref<1x8x2048xf32, #tpu.memory_space<vmem>>
      %dma_start3A_109 = tpu.memref_squeeze %dma_start3A_108 : memref<1x8x2048xf32, #tpu.memory_space<vmem>> -> memref<8x2048xf32, #tpu.memory_space<vmem>>
      %dma_start3A_110 = arith.constant 0 : i32
      %dma_start3A_111 = tpu.memref_slice %arg4[%add3A_104, %dma_start3A_110] : memref<16384x2048xf32, #tpu.memory_space<hbm>> -> memref<8x2048xf32, #tpu.memory_space<hbm>>
      %dma_start3A_112 = arith.constant 0 : i32
      %dma_start3A_113 = tpu.memref_slice %arg4[%add3A_104, %dma_start3A_112] : memref<16384x2048xf32, #tpu.memory_space<hbm>> -> memref<8x2048xf32, #tpu.memory_space<hbm>>
      %dma_start3A_114 = arith.constant 0 : i32
      %dma_start3A_115 = arith.constant 0 : i32
      %dma_start3A_116 = tpu.memref_slice %arg6[%dma_start3A_105, %dma_start3A_114, %dma_start3A_115] : memref<4x8x2048xf32, #tpu.memory_space<vmem>> -> memref<1x8x2048xf32, #tpu.memory_space<vmem>>
      %dma_start3A_117 = tpu.memref_squeeze %dma_start3A_116 : memref<1x8x2048xf32, #tpu.memory_space<vmem>> -> memref<8x2048xf32, #tpu.memory_space<vmem>>
      tpu.enqueue_dma source(%dma_start3A_117 : memref<8x2048xf32, #tpu.memory_space<vmem>>) target(%dma_start3A_113 : memref<8x2048xf32, #tpu.memory_space<hbm>>) target_semaphore(%arg11 : memref<!tpu.dma_semaphore, #tpu.memory_space<semaphore_mem>>)
      %ge3A = arith.constant 2 : i32
      %ge3A_118 = arith.cmpi sge, %add3A_90, %ge3A : i32
      %convert_element_type3A = arith.extui %ge3A_118 : i1 to i32
      %cond3A = arith.constant 0 : i32
      %cond3A_119 = arith.cmpi ne, %convert_element_type3A, %cond3A : i32
      scf.if %cond3A_119 {
        %sub3A_256 = arith.constant 2 : i32
        %sub3A_257 = arith.subi %add3A_90, %sub3A_256 : i32
        %mul3A_258 = arith.constant 8 : i32
        %mul3A_259 = arith.muli %sub3A_257, %mul3A_258 : i32
        %add3A_260 = arith.addi %mul3A_2, %mul3A_259 : i32
        %dma_wait3A_261 = arith.constant 2 : i32
        %dma_wait3A_262 = arith.constant 0 : i32
        %dma_wait3A_263 = arith.constant 0 : i32
        %dma_wait3A_264 = tpu.memref_slice %arg6[%dma_wait3A_261, %dma_wait3A_262, %dma_wait3A_263] : memref<4x8x2048xf32, #tpu.memory_space<vmem>> -> memref<1x8x2048xf32, #tpu.memory_space<vmem>>
        %dma_wait3A_265 = tpu.memref_squeeze %dma_wait3A_264 : memref<1x8x2048xf32, #tpu.memory_space<vmem>> -> memref<8x2048xf32, #tpu.memory_space<vmem>>
        %dma_wait3A_266 = arith.constant 0 : i32
        %dma_wait3A_267 = tpu.memref_slice %arg4[%add3A_260, %dma_wait3A_266] : memref<16384x2048xf32, #tpu.memory_space<hbm>> -> memref<8x2048xf32, #tpu.memory_space<hbm>>
        %dma_wait3A_268 = arith.constant 0 : i32
        %dma_wait3A_269 = tpu.memref_slice %arg4[%add3A_260, %dma_wait3A_268] : memref<16384x2048xf32, #tpu.memory_space<hbm>> -> memref<8x2048xf32, #tpu.memory_space<hbm>>
        %dma_wait3A_270 = arith.constant 0 : i32
        %dma_wait3A_271 = arith.constant 0 : i32
        %dma_wait3A_272 = tpu.memref_slice %arg6[%dma_wait3A_261, %dma_wait3A_270, %dma_wait3A_271] : memref<4x8x2048xf32, #tpu.memory_space<vmem>> -> memref<1x8x2048xf32, #tpu.memory_space<vmem>>
        %dma_wait3A_273 = tpu.memref_squeeze %dma_wait3A_272 : memref<1x8x2048xf32, #tpu.memory_space<vmem>> -> memref<8x2048xf32, #tpu.memory_space<vmem>>
        tpu.wait_dma2 semaphore(%arg13 : memref<!tpu.dma_semaphore, #tpu.memory_space<semaphore_mem>>) src(%dma_wait3A_273 : memref<8x2048xf32, #tpu.memory_space<vmem>>) dst(%dma_wait3A_269 : memref<8x2048xf32, #tpu.memory_space<hbm>>)
      } else {
      }
      %add3A_120 = arith.constant 2 : i32
      %add3A_121 = arith.addi %add3A_90, %add3A_120 : i32
      %lt3A_122 = arith.constant 64 : i32
      %lt3A_123 = arith.cmpi slt, %add3A_121, %lt3A_122 : i32
      %convert_element_type3A_124 = arith.extui %lt3A_123 : i1 to i32
      %cond3A_125 = arith.constant 0 : i32
      %cond3A_126 = arith.cmpi ne, %convert_element_type3A_124, %cond3A_125 : i32
      scf.if %cond3A_126 {
        %add3A_256 = arith.constant 2 : i32
        %add3A_257 = arith.addi %add3A_90, %add3A_256 : i32
        %mul3A_258 = arith.constant 8 : i32
        %mul3A_259 = arith.muli %add3A_257, %mul3A_258 : i32
        %dma_start3A_260 = arith.constant 2 : i32
        %dma_start3A_261 = arith.constant 0 : i32
        %dma_start3A_262 = arith.constant 0 : i32
        %dma_start3A_263 = tpu.memref_slice %arg6[%dma_start3A_260, %dma_start3A_261, %dma_start3A_262] : memref<4x8x2048xf32, #tpu.memory_space<vmem>> -> memref<1x8x2048xf32, #tpu.memory_space<vmem>>
        %dma_start3A_264 = tpu.memref_squeeze %dma_start3A_263 : memref<1x8x2048xf32, #tpu.memory_space<vmem>> -> memref<8x2048xf32, #tpu.memory_space<vmem>>
        %dma_start3A_265 = tpu.memref_slice %arg5[%mul3A_259] : memref<512xi32, #tpu.memory_space<vmem>> -> memref<8xi32, #tpu.memory_space<vmem>>
        %dma_start3A_266 = arith.constant 0 : i32
        %dma_start3A_267 = arith.constant 0 : i32
        %dma_start3A_268 = tpu.memref_slice %arg3[%dma_start3A_266, %dma_start3A_267] : memref<32000x2048xf32, #tpu.memory_space<hbm>> -> memref<32000x2048xf32, #tpu.memory_space<hbm>>
        tpu.enqueue_indirect_dma source(%dma_start3A_268 : memref<32000x2048xf32, #tpu.memory_space<hbm>>) target(%dma_start3A_264 : memref<8x2048xf32, #tpu.memory_space<vmem>>) offsets(%dma_start3A_265 : memref<8xi32, #tpu.memory_space<vmem>>) semaphore(%arg9 : memref<!tpu.dma_semaphore, #tpu.memory_space<semaphore_mem>>)
      } else {
      }
      %mul3A_127 = arith.constant 4 : i32
      %mul3A_128 = arith.muli %mul3A_127, %scan3A_86 : i32
      %add3A_129 = arith.constant 1 : i32
      %add3A_130 = arith.addi %mul3A_128, %add3A_129 : i32
      %mul3A_131 = arith.constant 8 : i32
      %mul3A_132 = arith.muli %add3A_130, %mul3A_131 : i32
      %dma_wait3A_133 = arith.constant 1 : i32
      %dma_wait3A_134 = arith.constant 0 : i32
      %dma_wait3A_135 = arith.constant 0 : i32
      %dma_wait3A_136 = tpu.memref_slice %arg6[%dma_wait3A_133, %dma_wait3A_134, %dma_wait3A_135] : memref<4x8x2048xf32, #tpu.memory_space<vmem>> -> memref<1x8x2048xf32, #tpu.memory_space<vmem>>
      %dma_wait3A_137 = tpu.memref_squeeze %dma_wait3A_136 : memref<1x8x2048xf32, #tpu.memory_space<vmem>> -> memref<8x2048xf32, #tpu.memory_space<vmem>>
      %dma_wait3A_138 = tpu.memref_slice %arg5[%mul3A_132] : memref<512xi32, #tpu.memory_space<vmem>> -> memref<8xi32, #tpu.memory_space<vmem>>
      %dma_wait3A_139 = arith.constant 0 : i32
      %dma_wait3A_140 = arith.constant 0 : i32
      %dma_wait3A_141 = tpu.memref_slice %arg3[%dma_wait3A_139, %dma_wait3A_140] : memref<32000x2048xf32, #tpu.memory_space<hbm>> -> memref<32000x2048xf32, #tpu.memory_space<hbm>>
      tpu.wait_indirect_dma semaphore(%arg8 : memref<!tpu.dma_semaphore, #tpu.memory_space<semaphore_mem>>) src(%dma_wait3A_141 : memref<32000x2048xf32, #tpu.memory_space<hbm>>) dst(%dma_wait3A_137 : memref<8x2048xf32, #tpu.memory_space<vmem>>)
      %mul3A_142 = arith.constant 8 : i32
      %mul3A_143 = arith.muli %add3A_130, %mul3A_142 : i32
      %add3A_144 = arith.addi %mul3A_2, %mul3A_143 : i32
      %dma_start3A_145 = arith.constant 1 : i32
      %dma_start3A_146 = arith.constant 0 : i32
      %dma_start3A_147 = arith.constant 0 : i32
      %dma_start3A_148 = tpu.memref_slice %arg6[%dma_start3A_145, %dma_start3A_146, %dma_start3A_147] : memref<4x8x2048xf32, #tpu.memory_space<vmem>> -> memref<1x8x2048xf32, #tpu.memory_space<vmem>>
      %dma_start3A_149 = tpu.memref_squeeze %dma_start3A_148 : memref<1x8x2048xf32, #tpu.memory_space<vmem>> -> memref<8x2048xf32, #tpu.memory_space<vmem>>
      %dma_start3A_150 = arith.constant 0 : i32
      %dma_start3A_151 = tpu.memref_slice %arg4[%add3A_144, %dma_start3A_150] : memref<16384x2048xf32, #tpu.memory_space<hbm>> -> memref<8x2048xf32, #tpu.memory_space<hbm>>
      %dma_start3A_152 = arith.constant 0 : i32
      %dma_start3A_153 = tpu.memref_slice %arg4[%add3A_144, %dma_start3A_152] : memref<16384x2048xf32, #tpu.memory_space<hbm>> -> memref<8x2048xf32, #tpu.memory_space<hbm>>
      %dma_start3A_154 = arith.constant 0 : i32
      %dma_start3A_155 = arith.constant 0 : i32
      %dma_start3A_156 = tpu.memref_slice %arg6[%dma_start3A_145, %dma_start3A_154, %dma_start3A_155] : memref<4x8x2048xf32, #tpu.memory_space<vmem>> -> memref<1x8x2048xf32, #tpu.memory_space<vmem>>
      %dma_start3A_157 = tpu.memref_squeeze %dma_start3A_156 : memref<1x8x2048xf32, #tpu.memory_space<vmem>> -> memref<8x2048xf32, #tpu.memory_space<vmem>>
      tpu.enqueue_dma source(%dma_start3A_157 : memref<8x2048xf32, #tpu.memory_space<vmem>>) target(%dma_start3A_153 : memref<8x2048xf32, #tpu.memory_space<hbm>>) target_semaphore(%arg12 : memref<!tpu.dma_semaphore, #tpu.memory_space<semaphore_mem>>)
      %ge3A_158 = arith.constant 2 : i32
      %ge3A_159 = arith.cmpi sge, %add3A_130, %ge3A_158 : i32
      %convert_element_type3A_160 = arith.extui %ge3A_159 : i1 to i32
      %cond3A_161 = arith.constant 0 : i32
      %cond3A_162 = arith.cmpi ne, %convert_element_type3A_160, %cond3A_161 : i32
      scf.if %cond3A_162 {
        %sub3A_256 = arith.constant 2 : i32
        %sub3A_257 = arith.subi %add3A_130, %sub3A_256 : i32
        %mul3A_258 = arith.constant 8 : i32
        %mul3A_259 = arith.muli %sub3A_257, %mul3A_258 : i32
        %add3A_260 = arith.addi %mul3A_2, %mul3A_259 : i32
        %dma_wait3A_261 = arith.constant 3 : i32
        %dma_wait3A_262 = arith.constant 0 : i32
        %dma_wait3A_263 = arith.constant 0 : i32
        %dma_wait3A_264 = tpu.memref_slice %arg6[%dma_wait3A_261, %dma_wait3A_262, %dma_wait3A_263] : memref<4x8x2048xf32, #tpu.memory_space<vmem>> -> memref<1x8x2048xf32, #tpu.memory_space<vmem>>
        %dma_wait3A_265 = tpu.memref_squeeze %dma_wait3A_264 : memref<1x8x2048xf32, #tpu.memory_space<vmem>> -> memref<8x2048xf32, #tpu.memory_space<vmem>>
        %dma_wait3A_266 = arith.constant 0 : i32
        %dma_wait3A_267 = tpu.memref_slice %arg4[%add3A_260, %dma_wait3A_266] : memref<16384x2048xf32, #tpu.memory_space<hbm>> -> memref<8x2048xf32, #tpu.memory_space<hbm>>
        %dma_wait3A_268 = arith.constant 0 : i32
        %dma_wait3A_269 = tpu.memref_slice %arg4[%add3A_260, %dma_wait3A_268] : memref<16384x2048xf32, #tpu.memory_space<hbm>> -> memref<8x2048xf32, #tpu.memory_space<hbm>>
        %dma_wait3A_270 = arith.constant 0 : i32
        %dma_wait3A_271 = arith.constant 0 : i32
        %dma_wait3A_272 = tpu.memref_slice %arg6[%dma_wait3A_261, %dma_wait3A_270, %dma_wait3A_271] : memref<4x8x2048xf32, #tpu.memory_space<vmem>> -> memref<1x8x2048xf32, #tpu.memory_space<vmem>>
        %dma_wait3A_273 = tpu.memref_squeeze %dma_wait3A_272 : memref<1x8x2048xf32, #tpu.memory_space<vmem>> -> memref<8x2048xf32, #tpu.memory_space<vmem>>
        tpu.wait_dma2 semaphore(%arg14 : memref<!tpu.dma_semaphore, #tpu.memory_space<semaphore_mem>>) src(%dma_wait3A_273 : memref<8x2048xf32, #tpu.memory_space<vmem>>) dst(%dma_wait3A_269 : memref<8x2048xf32, #tpu.memory_space<hbm>>)
      } else {
      }
      %add3A_163 = arith.constant 2 : i32
      %add3A_164 = arith.addi %add3A_130, %add3A_163 : i32
      %lt3A_165 = arith.constant 64 : i32
      %lt3A_166 = arith.cmpi slt, %add3A_164, %lt3A_165 : i32
      %convert_element_type3A_167 = arith.extui %lt3A_166 : i1 to i32
      %cond3A_168 = arith.constant 0 : i32
      %cond3A_169 = arith.cmpi ne, %convert_element_type3A_167, %cond3A_168 : i32
      scf.if %cond3A_169 {
        %add3A_256 = arith.constant 2 : i32
        %add3A_257 = arith.addi %add3A_130, %add3A_256 : i32
        %mul3A_258 = arith.constant 8 : i32
        %mul3A_259 = arith.muli %add3A_257, %mul3A_258 : i32
        %dma_start3A_260 = arith.constant 3 : i32
        %dma_start3A_261 = arith.constant 0 : i32
        %dma_start3A_262 = arith.constant 0 : i32
        %dma_start3A_263 = tpu.memref_slice %arg6[%dma_start3A_260, %dma_start3A_261, %dma_start3A_262] : memref<4x8x2048xf32, #tpu.memory_space<vmem>> -> memref<1x8x2048xf32, #tpu.memory_space<vmem>>
        %dma_start3A_264 = tpu.memref_squeeze %dma_start3A_263 : memref<1x8x2048xf32, #tpu.memory_space<vmem>> -> memref<8x2048xf32, #tpu.memory_space<vmem>>
        %dma_start3A_265 = tpu.memref_slice %arg5[%mul3A_259] : memref<512xi32, #tpu.memory_space<vmem>> -> memref<8xi32, #tpu.memory_space<vmem>>
        %dma_start3A_266 = arith.constant 0 : i32
        %dma_start3A_267 = arith.constant 0 : i32
        %dma_start3A_268 = tpu.memref_slice %arg3[%dma_start3A_266, %dma_start3A_267] : memref<32000x2048xf32, #tpu.memory_space<hbm>> -> memref<32000x2048xf32, #tpu.memory_space<hbm>>
        tpu.enqueue_indirect_dma source(%dma_start3A_268 : memref<32000x2048xf32, #tpu.memory_space<hbm>>) target(%dma_start3A_264 : memref<8x2048xf32, #tpu.memory_space<vmem>>) offsets(%dma_start3A_265 : memref<8xi32, #tpu.memory_space<vmem>>) semaphore(%arg10 : memref<!tpu.dma_semaphore, #tpu.memory_space<semaphore_mem>>)
      } else {
      }
      %mul3A_170 = arith.constant 4 : i32
      %mul3A_171 = arith.muli %mul3A_170, %scan3A_86 : i32
      %add3A_172 = arith.constant 2 : i32
      %add3A_173 = arith.addi %mul3A_171, %add3A_172 : i32
      %mul3A_174 = arith.constant 8 : i32
      %mul3A_175 = arith.muli %add3A_173, %mul3A_174 : i32
      %dma_wait3A_176 = arith.constant 2 : i32
      %dma_wait3A_177 = arith.constant 0 : i32
      %dma_wait3A_178 = arith.constant 0 : i32
      %dma_wait3A_179 = tpu.memref_slice %arg6[%dma_wait3A_176, %dma_wait3A_177, %dma_wait3A_178] : memref<4x8x2048xf32, #tpu.memory_space<vmem>> -> memref<1x8x2048xf32, #tpu.memory_space<vmem>>
      %dma_wait3A_180 = tpu.memref_squeeze %dma_wait3A_179 : memref<1x8x2048xf32, #tpu.memory_space<vmem>> -> memref<8x2048xf32, #tpu.memory_space<vmem>>
      %dma_wait3A_181 = tpu.memref_slice %arg5[%mul3A_175] : memref<512xi32, #tpu.memory_space<vmem>> -> memref<8xi32, #tpu.memory_space<vmem>>
      %dma_wait3A_182 = arith.constant 0 : i32
      %dma_wait3A_183 = arith.constant 0 : i32
      %dma_wait3A_184 = tpu.memref_slice %arg3[%dma_wait3A_182, %dma_wait3A_183] : memref<32000x2048xf32, #tpu.memory_space<hbm>> -> memref<32000x2048xf32, #tpu.memory_space<hbm>>
      tpu.wait_indirect_dma semaphore(%arg9 : memref<!tpu.dma_semaphore, #tpu.memory_space<semaphore_mem>>) src(%dma_wait3A_184 : memref<32000x2048xf32, #tpu.memory_space<hbm>>) dst(%dma_wait3A_180 : memref<8x2048xf32, #tpu.memory_space<vmem>>)
      %mul3A_185 = arith.constant 8 : i32
      %mul3A_186 = arith.muli %add3A_173, %mul3A_185 : i32
      %add3A_187 = arith.addi %mul3A_2, %mul3A_186 : i32
      %dma_start3A_188 = arith.constant 2 : i32
      %dma_start3A_189 = arith.constant 0 : i32
      %dma_start3A_190 = arith.constant 0 : i32
      %dma_start3A_191 = tpu.memref_slice %arg6[%dma_start3A_188, %dma_start3A_189, %dma_start3A_190] : memref<4x8x2048xf32, #tpu.memory_space<vmem>> -> memref<1x8x2048xf32, #tpu.memory_space<vmem>>
      %dma_start3A_192 = tpu.memref_squeeze %dma_start3A_191 : memref<1x8x2048xf32, #tpu.memory_space<vmem>> -> memref<8x2048xf32, #tpu.memory_space<vmem>>
      %dma_start3A_193 = arith.constant 0 : i32
      %dma_start3A_194 = tpu.memref_slice %arg4[%add3A_187, %dma_start3A_193] : memref<16384x2048xf32, #tpu.memory_space<hbm>> -> memref<8x2048xf32, #tpu.memory_space<hbm>>
      %dma_start3A_195 = arith.constant 0 : i32
      %dma_start3A_196 = tpu.memref_slice %arg4[%add3A_187, %dma_start3A_195] : memref<16384x2048xf32, #tpu.memory_space<hbm>> -> memref<8x2048xf32, #tpu.memory_space<hbm>>
      %dma_start3A_197 = arith.constant 0 : i32
      %dma_start3A_198 = arith.constant 0 : i32
      %dma_start3A_199 = tpu.memref_slice %arg6[%dma_start3A_188, %dma_start3A_197, %dma_start3A_198] : memref<4x8x2048xf32, #tpu.memory_space<vmem>> -> memref<1x8x2048xf32, #tpu.memory_space<vmem>>
      %dma_start3A_200 = tpu.memref_squeeze %dma_start3A_199 : memref<1x8x2048xf32, #tpu.memory_space<vmem>> -> memref<8x2048xf32, #tpu.memory_space<vmem>>
      tpu.enqueue_dma source(%dma_start3A_200 : memref<8x2048xf32, #tpu.memory_space<vmem>>) target(%dma_start3A_196 : memref<8x2048xf32, #tpu.memory_space<hbm>>) target_semaphore(%arg13 : memref<!tpu.dma_semaphore, #tpu.memory_space<semaphore_mem>>)
      %ge3A_201 = arith.constant 2 : i32
      %ge3A_202 = arith.cmpi sge, %add3A_173, %ge3A_201 : i32
      %convert_element_type3A_203 = arith.extui %ge3A_202 : i1 to i32
      %cond3A_204 = arith.constant 0 : i32
      %cond3A_205 = arith.cmpi ne, %convert_element_type3A_203, %cond3A_204 : i32
      scf.if %cond3A_205 {
        %sub3A_256 = arith.constant 2 : i32
        %sub3A_257 = arith.subi %add3A_173, %sub3A_256 : i32
        %mul3A_258 = arith.constant 8 : i32
        %mul3A_259 = arith.muli %sub3A_257, %mul3A_258 : i32
        %add3A_260 = arith.addi %mul3A_2, %mul3A_259 : i32
        %dma_wait3A_261 = arith.constant 0 : i32
        %dma_wait3A_262 = arith.constant 0 : i32
        %dma_wait3A_263 = arith.constant 0 : i32
        %dma_wait3A_264 = tpu.memref_slice %arg6[%dma_wait3A_261, %dma_wait3A_262, %dma_wait3A_263] : memref<4x8x2048xf32, #tpu.memory_space<vmem>> -> memref<1x8x2048xf32, #tpu.memory_space<vmem>>
        %dma_wait3A_265 = tpu.memref_squeeze %dma_wait3A_264 : memref<1x8x2048xf32, #tpu.memory_space<vmem>> -> memref<8x2048xf32, #tpu.memory_space<vmem>>
        %dma_wait3A_266 = arith.constant 0 : i32
        %dma_wait3A_267 = tpu.memref_slice %arg4[%add3A_260, %dma_wait3A_266] : memref<16384x2048xf32, #tpu.memory_space<hbm>> -> memref<8x2048xf32, #tpu.memory_space<hbm>>
        %dma_wait3A_268 = arith.constant 0 : i32
        %dma_wait3A_269 = tpu.memref_slice %arg4[%add3A_260, %dma_wait3A_268] : memref<16384x2048xf32, #tpu.memory_space<hbm>> -> memref<8x2048xf32, #tpu.memory_space<hbm>>
        %dma_wait3A_270 = arith.constant 0 : i32
        %dma_wait3A_271 = arith.constant 0 : i32
        %dma_wait3A_272 = tpu.memref_slice %arg6[%dma_wait3A_261, %dma_wait3A_270, %dma_wait3A_271] : memref<4x8x2048xf32, #tpu.memory_space<vmem>> -> memref<1x8x2048xf32, #tpu.memory_space<vmem>>
        %dma_wait3A_273 = tpu.memref_squeeze %dma_wait3A_272 : memref<1x8x2048xf32, #tpu.memory_space<vmem>> -> memref<8x2048xf32, #tpu.memory_space<vmem>>
        tpu.wait_dma2 semaphore(%arg11 : memref<!tpu.dma_semaphore, #tpu.memory_space<semaphore_mem>>) src(%dma_wait3A_273 : memref<8x2048xf32, #tpu.memory_space<vmem>>) dst(%dma_wait3A_269 : memref<8x2048xf32, #tpu.memory_space<hbm>>)
      } else {
      }
      %add3A_206 = arith.constant 2 : i32
      %add3A_207 = arith.addi %add3A_173, %add3A_206 : i32
      %lt3A_208 = arith.constant 64 : i32
      %lt3A_209 = arith.cmpi slt, %add3A_207, %lt3A_208 : i32
      %convert_element_type3A_210 = arith.extui %lt3A_209 : i1 to i32
      %cond3A_211 = arith.constant 0 : i32
      %cond3A_212 = arith.cmpi ne, %convert_element_type3A_210, %cond3A_211 : i32
      scf.if %cond3A_212 {
        %add3A_256 = arith.constant 2 : i32
        %add3A_257 = arith.addi %add3A_173, %add3A_256 : i32
        %mul3A_258 = arith.constant 8 : i32
        %mul3A_259 = arith.muli %add3A_257, %mul3A_258 : i32
        %dma_start3A_260 = arith.constant 0 : i32
        %dma_start3A_261 = arith.constant 0 : i32
        %dma_start3A_262 = arith.constant 0 : i32
        %dma_start3A_263 = tpu.memref_slice %arg6[%dma_start3A_260, %dma_start3A_261, %dma_start3A_262] : memref<4x8x2048xf32, #tpu.memory_space<vmem>> -> memref<1x8x2048xf32, #tpu.memory_space<vmem>>
        %dma_start3A_264 = tpu.memref_squeeze %dma_start3A_263 : memref<1x8x2048xf32, #tpu.memory_space<vmem>> -> memref<8x2048xf32, #tpu.memory_space<vmem>>
        %dma_start3A_265 = tpu.memref_slice %arg5[%mul3A_259] : memref<512xi32, #tpu.memory_space<vmem>> -> memref<8xi32, #tpu.memory_space<vmem>>
        %dma_start3A_266 = arith.constant 0 : i32
        %dma_start3A_267 = arith.constant 0 : i32
        %dma_start3A_268 = tpu.memref_slice %arg3[%dma_start3A_266, %dma_start3A_267] : memref<32000x2048xf32, #tpu.memory_space<hbm>> -> memref<32000x2048xf32, #tpu.memory_space<hbm>>
        tpu.enqueue_indirect_dma source(%dma_start3A_268 : memref<32000x2048xf32, #tpu.memory_space<hbm>>) target(%dma_start3A_264 : memref<8x2048xf32, #tpu.memory_space<vmem>>) offsets(%dma_start3A_265 : memref<8xi32, #tpu.memory_space<vmem>>) semaphore(%arg7 : memref<!tpu.dma_semaphore, #tpu.memory_space<semaphore_mem>>)
      } else {
      }
      %mul3A_213 = arith.constant 4 : i32
      %mul3A_214 = arith.muli %mul3A_213, %scan3A_86 : i32
      %add3A_215 = arith.constant 3 : i32
      %add3A_216 = arith.addi %mul3A_214, %add3A_215 : i32
      %mul3A_217 = arith.constant 8 : i32
      %mul3A_218 = arith.muli %add3A_216, %mul3A_217 : i32
      %dma_wait3A_219 = arith.constant 3 : i32
      %dma_wait3A_220 = arith.constant 0 : i32
      %dma_wait3A_221 = arith.constant 0 : i32
      %dma_wait3A_222 = tpu.memref_slice %arg6[%dma_wait3A_219, %dma_wait3A_220, %dma_wait3A_221] : memref<4x8x2048xf32, #tpu.memory_space<vmem>> -> memref<1x8x2048xf32, #tpu.memory_space<vmem>>
      %dma_wait3A_223 = tpu.memref_squeeze %dma_wait3A_222 : memref<1x8x2048xf32, #tpu.memory_space<vmem>> -> memref<8x2048xf32, #tpu.memory_space<vmem>>
      %dma_wait3A_224 = tpu.memref_slice %arg5[%mul3A_218] : memref<512xi32, #tpu.memory_space<vmem>> -> memref<8xi32, #tpu.memory_space<vmem>>
      %dma_wait3A_225 = arith.constant 0 : i32
      %dma_wait3A_226 = arith.constant 0 : i32
      %dma_wait3A_227 = tpu.memref_slice %arg3[%dma_wait3A_225, %dma_wait3A_226] : memref<32000x2048xf32, #tpu.memory_space<hbm>> -> memref<32000x2048xf32, #tpu.memory_space<hbm>>
      tpu.wait_indirect_dma semaphore(%arg10 : memref<!tpu.dma_semaphore, #tpu.memory_space<semaphore_mem>>) src(%dma_wait3A_227 : memref<32000x2048xf32, #tpu.memory_space<hbm>>) dst(%dma_wait3A_223 : memref<8x2048xf32, #tpu.memory_space<vmem>>)
      %mul3A_228 = arith.constant 8 : i32
      %mul3A_229 = arith.muli %add3A_216, %mul3A_228 : i32
      %add3A_230 = arith.addi %mul3A_2, %mul3A_229 : i32
      %dma_start3A_231 = arith.constant 3 : i32
      %dma_start3A_232 = arith.constant 0 : i32
      %dma_start3A_233 = arith.constant 0 : i32
      %dma_start3A_234 = tpu.memref_slice %arg6[%dma_start3A_231, %dma_start3A_232, %dma_start3A_233] : memref<4x8x2048xf32, #tpu.memory_space<vmem>> -> memref<1x8x2048xf32, #tpu.memory_space<vmem>>
      %dma_start3A_235 = tpu.memref_squeeze %dma_start3A_234 : memref<1x8x2048xf32, #tpu.memory_space<vmem>> -> memref<8x2048xf32, #tpu.memory_space<vmem>>
      %dma_start3A_236 = arith.constant 0 : i32
      %dma_start3A_237 = tpu.memref_slice %arg4[%add3A_230, %dma_start3A_236] : memref<16384x2048xf32, #tpu.memory_space<hbm>> -> memref<8x2048xf32, #tpu.memory_space<hbm>>
      %dma_start3A_238 = arith.constant 0 : i32
      %dma_start3A_239 = tpu.memref_slice %arg4[%add3A_230, %dma_start3A_238] : memref<16384x2048xf32, #tpu.memory_space<hbm>> -> memref<8x2048xf32, #tpu.memory_space<hbm>>
      %dma_start3A_240 = arith.constant 0 : i32
      %dma_start3A_241 = arith.constant 0 : i32
      %dma_start3A_242 = tpu.memref_slice %arg6[%dma_start3A_231, %dma_start3A_240, %dma_start3A_241] : memref<4x8x2048xf32, #tpu.memory_space<vmem>> -> memref<1x8x2048xf32, #tpu.memory_space<vmem>>
      %dma_start3A_243 = tpu.memref_squeeze %dma_start3A_242 : memref<1x8x2048xf32, #tpu.memory_space<vmem>> -> memref<8x2048xf32, #tpu.memory_space<vmem>>
      tpu.enqueue_dma source(%dma_start3A_243 : memref<8x2048xf32, #tpu.memory_space<vmem>>) target(%dma_start3A_239 : memref<8x2048xf32, #tpu.memory_space<hbm>>) target_semaphore(%arg14 : memref<!tpu.dma_semaphore, #tpu.memory_space<semaphore_mem>>)
      %ge3A_244 = arith.constant 2 : i32
      %ge3A_245 = arith.cmpi sge, %add3A_216, %ge3A_244 : i32
      %convert_element_type3A_246 = arith.extui %ge3A_245 : i1 to i32
      %cond3A_247 = arith.constant 0 : i32
      %cond3A_248 = arith.cmpi ne, %convert_element_type3A_246, %cond3A_247 : i32
      scf.if %cond3A_248 {
        %sub3A_256 = arith.constant 2 : i32
        %sub3A_257 = arith.subi %add3A_216, %sub3A_256 : i32
        %mul3A_258 = arith.constant 8 : i32
        %mul3A_259 = arith.muli %sub3A_257, %mul3A_258 : i32
        %add3A_260 = arith.addi %mul3A_2, %mul3A_259 : i32
        %dma_wait3A_261 = arith.constant 1 : i32
        %dma_wait3A_262 = arith.constant 0 : i32
        %dma_wait3A_263 = arith.constant 0 : i32
        %dma_wait3A_264 = tpu.memref_slice %arg6[%dma_wait3A_261, %dma_wait3A_262, %dma_wait3A_263] : memref<4x8x2048xf32, #tpu.memory_space<vmem>> -> memref<1x8x2048xf32, #tpu.memory_space<vmem>>
        %dma_wait3A_265 = tpu.memref_squeeze %dma_wait3A_264 : memref<1x8x2048xf32, #tpu.memory_space<vmem>> -> memref<8x2048xf32, #tpu.memory_space<vmem>>
        %dma_wait3A_266 = arith.constant 0 : i32
        %dma_wait3A_267 = tpu.memref_slice %arg4[%add3A_260, %dma_wait3A_266] : memref<16384x2048xf32, #tpu.memory_space<hbm>> -> memref<8x2048xf32, #tpu.memory_space<hbm>>
        %dma_wait3A_268 = arith.constant 0 : i32
        %dma_wait3A_269 = tpu.memref_slice %arg4[%add3A_260, %dma_wait3A_268] : memref<16384x2048xf32, #tpu.memory_space<hbm>> -> memref<8x2048xf32, #tpu.memory_space<hbm>>
        %dma_wait3A_270 = arith.constant 0 : i32
        %dma_wait3A_271 = arith.constant 0 : i32
        %dma_wait3A_272 = tpu.memref_slice %arg6[%dma_wait3A_261, %dma_wait3A_270, %dma_wait3A_271] : memref<4x8x2048xf32, #tpu.memory_space<vmem>> -> memref<1x8x2048xf32, #tpu.memory_space<vmem>>
        %dma_wait3A_273 = tpu.memref_squeeze %dma_wait3A_272 : memref<1x8x2048xf32, #tpu.memory_space<vmem>> -> memref<8x2048xf32, #tpu.memory_space<vmem>>
        tpu.wait_dma2 semaphore(%arg12 : memref<!tpu.dma_semaphore, #tpu.memory_space<semaphore_mem>>) src(%dma_wait3A_273 : memref<8x2048xf32, #tpu.memory_space<vmem>>) dst(%dma_wait3A_269 : memref<8x2048xf32, #tpu.memory_space<hbm>>)
      } else {
      }
      %add3A_249 = arith.constant 2 : i32
      %add3A_250 = arith.addi %add3A_216, %add3A_249 : i32
      %lt3A_251 = arith.constant 64 : i32
      %lt3A_252 = arith.cmpi slt, %add3A_250, %lt3A_251 : i32
      %convert_element_type3A_253 = arith.extui %lt3A_252 : i1 to i32
      %cond3A_254 = arith.constant 0 : i32
      %cond3A_255 = arith.cmpi ne, %convert_element_type3A_253, %cond3A_254 : i32
      scf.if %cond3A_255 {
        %add3A_256 = arith.constant 2 : i32
        %add3A_257 = arith.addi %add3A_216, %add3A_256 : i32
        %mul3A_258 = arith.constant 8 : i32
        %mul3A_259 = arith.muli %add3A_257, %mul3A_258 : i32
        %dma_start3A_260 = arith.constant 1 : i32
        %dma_start3A_261 = arith.constant 0 : i32
        %dma_start3A_262 = arith.constant 0 : i32
        %dma_start3A_263 = tpu.memref_slice %arg6[%dma_start3A_260, %dma_start3A_261, %dma_start3A_262] : memref<4x8x2048xf32, #tpu.memory_space<vmem>> -> memref<1x8x2048xf32, #tpu.memory_space<vmem>>
        %dma_start3A_264 = tpu.memref_squeeze %dma_start3A_263 : memref<1x8x2048xf32, #tpu.memory_space<vmem>> -> memref<8x2048xf32, #tpu.memory_space<vmem>>
        %dma_start3A_265 = tpu.memref_slice %arg5[%mul3A_259] : memref<512xi32, #tpu.memory_space<vmem>> -> memref<8xi32, #tpu.memory_space<vmem>>
        %dma_start3A_266 = arith.constant 0 : i32
        %dma_start3A_267 = arith.constant 0 : i32
        %dma_start3A_268 = tpu.memref_slice %arg3[%dma_start3A_266, %dma_start3A_267] : memref<32000x2048xf32, #tpu.memory_space<hbm>> -> memref<32000x2048xf32, #tpu.memory_space<hbm>>
        tpu.enqueue_indirect_dma source(%dma_start3A_268 : memref<32000x2048xf32, #tpu.memory_space<hbm>>) target(%dma_start3A_264 : memref<8x2048xf32, #tpu.memory_space<vmem>>) offsets(%dma_start3A_265 : memref<8xi32, #tpu.memory_space<vmem>>) semaphore(%arg8 : memref<!tpu.dma_semaphore, #tpu.memory_space<semaphore_mem>>)
      } else {
      }
    }
    %scan3A_56 = arith.constant 16 : i32
    %add3A_57 = arith.constant 496 : i32
    %add3A_58 = arith.addi %mul3A_2, %add3A_57 : i32
    %dma_wait3A = arith.constant 2 : i32
    %dma_wait3A_59 = arith.constant 0 : i32
    %dma_wait3A_60 = arith.constant 0 : i32
    %dma_wait3A_61 = tpu.memref_slice %arg6[%dma_wait3A, %dma_wait3A_59, %dma_wait3A_60] : memref<4x8x2048xf32, #tpu.memory_space<vmem>> -> memref<1x8x2048xf32, #tpu.memory_space<vmem>>
    %dma_wait3A_62 = tpu.memref_squeeze %dma_wait3A_61 : memref<1x8x2048xf32, #tpu.memory_space<vmem>> -> memref<8x2048xf32, #tpu.memory_space<vmem>>
    %dma_wait3A_63 = arith.constant 0 : i32
    %dma_wait3A_64 = tpu.memref_slice %arg4[%add3A_58, %dma_wait3A_63] : memref<16384x2048xf32, #tpu.memory_space<hbm>> -> memref<8x2048xf32, #tpu.memory_space<hbm>>
    %dma_wait3A_65 = arith.constant 0 : i32
    %dma_wait3A_66 = tpu.memref_slice %arg4[%add3A_58, %dma_wait3A_65] : memref<16384x2048xf32, #tpu.memory_space<hbm>> -> memref<8x2048xf32, #tpu.memory_space<hbm>>
    %dma_wait3A_67 = arith.constant 0 : i32
    %dma_wait3A_68 = arith.constant 0 : i32
    %dma_wait3A_69 = tpu.memref_slice %arg6[%dma_wait3A, %dma_wait3A_67, %dma_wait3A_68] : memref<4x8x2048xf32, #tpu.memory_space<vmem>> -> memref<1x8x2048xf32, #tpu.memory_space<vmem>>
    %dma_wait3A_70 = tpu.memref_squeeze %dma_wait3A_69 : memref<1x8x2048xf32, #tpu.memory_space<vmem>> -> memref<8x2048xf32, #tpu.memory_space<vmem>>
    tpu.wait_dma2 semaphore(%arg13 : memref<!tpu.dma_semaphore, #tpu.memory_space<semaphore_mem>>) src(%dma_wait3A_70 : memref<8x2048xf32, #tpu.memory_space<vmem>>) dst(%dma_wait3A_66 : memref<8x2048xf32, #tpu.memory_space<hbm>>)
    %add3A_71 = arith.constant 504 : i32
    %add3A_72 = arith.addi %mul3A_2, %add3A_71 : i32
    %dma_wait3A_73 = arith.constant 3 : i32
    %dma_wait3A_74 = arith.constant 0 : i32
    %dma_wait3A_75 = arith.constant 0 : i32
    %dma_wait3A_76 = tpu.memref_slice %arg6[%dma_wait3A_73, %dma_wait3A_74, %dma_wait3A_75] : memref<4x8x2048xf32, #tpu.memory_space<vmem>> -> memref<1x8x2048xf32, #tpu.memory_space<vmem>>
    %dma_wait3A_77 = tpu.memref_squeeze %dma_wait3A_76 : memref<1x8x2048xf32, #tpu.memory_space<vmem>> -> memref<8x2048xf32, #tpu.memory_space<vmem>>
    %dma_wait3A_78 = arith.constant 0 : i32
    %dma_wait3A_79 = tpu.memref_slice %arg4[%add3A_72, %dma_wait3A_78] : memref<16384x2048xf32, #tpu.memory_space<hbm>> -> memref<8x2048xf32, #tpu.memory_space<hbm>>
    %dma_wait3A_80 = arith.constant 0 : i32
    %dma_wait3A_81 = tpu.memref_slice %arg4[%add3A_72, %dma_wait3A_80] : memref<16384x2048xf32, #tpu.memory_space<hbm>> -> memref<8x2048xf32, #tpu.memory_space<hbm>>
    %dma_wait3A_82 = arith.constant 0 : i32
    %dma_wait3A_83 = arith.constant 0 : i32
    %dma_wait3A_84 = tpu.memref_slice %arg6[%dma_wait3A_73, %dma_wait3A_82, %dma_wait3A_83] : memref<4x8x2048xf32, #tpu.memory_space<vmem>> -> memref<1x8x2048xf32, #tpu.memory_space<vmem>>
    %dma_wait3A_85 = tpu.memref_squeeze %dma_wait3A_84 : memref<1x8x2048xf32, #tpu.memory_space<vmem>> -> memref<8x2048xf32, #tpu.memory_space<vmem>>
    tpu.wait_dma2 semaphore(%arg14 : memref<!tpu.dma_semaphore, #tpu.memory_space<semaphore_mem>>) src(%dma_wait3A_85 : memref<8x2048xf32, #tpu.memory_space<vmem>>) dst(%dma_wait3A_81 : memref<8x2048xf32, #tpu.memory_space<hbm>>)
    return
  }
}

</mosaic_0001>

<sc_bundles>
// kernel: kernel.3.cloned.1.call-start
scs
__scs_entry_jumppad:
0x0: {  	(pc) =	sbr.rel $0x88, $3  }
0x1: {  	(tag) =	ssettag $0x0;
	lr =	simm.s32 $0x1  }
0x2: {  	[smem:$0x3F9F] =	sst lr;
	_ =	strace $0xD0000000  }
0x3: {  	_ = 	snop  }
0x4: {  	_ = 	snop  }
0x5: {  	_ = 	snop  }
0x6: {  	_ = 	snop  }
0x7: {  	_ = 	snop  }
__scs_overlays_trampoline_lowered:
0x8: {  	[smem:$0x3FAE] =	sst s0  }
0x9: {  	[smem:$0x3FAF] =	sst s1  }
0xa: {  	[smem:$0x3FB0] =	sst s2  }
0xb: {  	[smem:$0x3FB1] =	sst s3  }
0xc: {  	[smem:$0x3FB2] =	sst s4  }
0xd: {  	[smem:$0x3FB3] =	sst s5  }
0xe: {  	[smem:$0x3FB4] =	sst s6  }
0xf: {  	[smem:$0x3FB5] =	sst s7  }
0x10: {  	[smem:$0x3FB6] =	sst s8  }
0x11: {  	[smem:$0x3FB7] =	sst s9;
	s0 =	simm.s32 @!p0 $0x0  }
0x12: {  	s1 =	sld [smem:$0x3F9D];
	s0 =	simm.s32 @p0 $0x1  }
0x13: {  	[smem:$0x3FB8] =	sst s0;
	s0 =	simm.s32 @!p1 $0x0  }
0x14: {  	s2 =	sld [smem:$0x3F9C];
	s0 =	simm.s32 @p1 $0x1  }
0x15: {  	[smem:$0x3FB9] =	sst s0;
	s0 =	simm.s32 @!p2 $0x0  }
0x16: {  	s3 =	sld [smem:$0x3FDB];
	s0 =	simm.s32 @p2 $0x1  }
0x17: {  	s4 =	simm.s32 $0x1BF5;
	[smem:$0x3FBB] =	sst s0  }
0x18: {  	s0 =	sld [smem:$0x3F9E];
	_ =	swait.ge [sflag:s4], $0x0  }
0x19: {  	s7 =	sld [smem:$0x3F9F]  }
0x1a: {  	s8 =	sadd.s32 $0xFFFFE003, lr  }
0x1b: {  	s9 =	sadd.s32 $0xFFFFFEF7, lr;
	s5 =	simm.s32 $0xFFFFFFFF;
	p2 =	slt.u32 s8, $0xFFFFF086  }
0x1c: {  	p1 =	slt.u32 s9, $0xF7A;
	s5 =	simm.s32 @!p2 $0x0  }
0x1d: {  	s5 =	simm.s32 @p1 $0x1;
	p0 =	seq.s32 s7, s2  }
0x1e: {  	s7 =	smul.u32 @!p0 $0xF7A, s2;
	p2 =	seq.s32 @!p0 s5, $0x0  }
0x1f: {  	s9 =	smul.u32 $0xF7A, s1;
	s8 =	simm.s32 @!p0 $0x1BF5;
	p2 =	por !p2, p0  }
0x20: {  	[sflag:s8] =	ssyncset.s32 @!p0 $0xFFFFF086;
	s6 =	sadd.s32 @!p0 s3, s7;
	s7 =	simm.s32 @!p0 $0x108  }
0x21: {  	s3 =	sadd.s32 s3, s9;
	s6 =	sadd.s32 @!p0 $0x88, s6;
	s7 =	simm.s32 @p2 $0x1082  }
0x22: {  	[simem:s7], [sflag:s8] =	dma.local @!p0 [hbm:s6], $0xF7A  }
0x23: {  	s9 =	sor.u32 $0xD0000000, s2;
	s6 =	simm.s32 $0x108;
	_ =	swait.ge @!p0 [sflag:s8], $0x0  }
0x24: {  	s3 =	sadd.s32 $0x88, s3;
	s6 =	simm.s32 @!p1 $0x1082;
	[sflag:s4] =	ssyncset.s32 $0xFFFFF086  }
0x25: {  	[simem:s6], [sflag:s4] =	dma.local [hbm:s3], $0xF7A  }
0x26: {  	[smem:$0x3F9F] =	sst s1;
	(tag) =	ssettag s2;
	_ =	strace s9  }
0x27: {  	s1 =	sld [smem:$0x3FAF]  }
0x28: {  	s2 =	sld [smem:$0x3FB0]  }
0x29: {  	s4 =	sld [smem:$0x3FB2]  }
0x2a: {  	p0 =	seq.s32 s5, $0x0;
	s5 =	sld [smem:$0x3FB3]  }
0x2b: {  	s6 =	sld [smem:$0x3FB4]  }
0x2c: {  	s7 =	sld [smem:$0x3FB5]  }
0x2d: {  	s3 =	simm.s32 $0x108;
	s8 =	sld [smem:$0x3FB6]  }
0x2e: {  	s3 =	simm.s32 @!p0 $0x1082;
	s9 =	sld [smem:$0x3FB7]  }
0x2f: {  	lr =	sadd.s32 s0, s3;
	s0 =	sld [smem:$0x3FAE]  }
0x30: {  	s3 =	sld [smem:$0x3FB1]  }
0x31: {  	[smem:$0x3FBA] =	sst s10  }
0x32: {  	s10 =	sld [smem:$0x3FB8];
	_ =	sdelay $0x3  }
0x33: {  	p0 =	seq.s32 s10, $0x1;
	s10 =	sld [smem:$0x3FBA];
	_ =	sdelay $0x3  }
0x34: {  	[smem:$0x3FBA] =	sst s10  }
0x35: {  	s10 =	sld [smem:$0x3FB9];
	_ =	sdelay $0x3  }
0x36: {  	p1 =	seq.s32 s10, $0x1;
	s10 =	sld [smem:$0x3FBA];
	_ =	sdelay $0x3  }
0x37: {  	[smem:$0x3FBA] =	sst s10  }
0x38: {  	s10 =	sld [smem:$0x3FBB]  }
0x39: {  	_ = 	snop;
	(pc) =	sbr.ind lr, $3  }
0x3a: {  	_ = 	snop  }
0x3b: {  	_ = 	snop  }
0x3c: {  	p2 =	seq.s32 s10, $0x1;
	s10 =	sld [smem:$0x3FBA]  }
0x3d: {  	_ =	shalt  }
0x3e: {  	_ =	shalt  }
0x3f: {  	_ =	shalt  }
0x40: {  	_ =	shalt  }
0x41: {  	_ =	shalt  }
0x42: {  	_ =	shalt  }
0x43: {  	_ =	shalt  }
0x44: {  	_ =	shalt  }
0x45: {  	_ =	shalt  }
0x46: {  	_ =	shalt  }
0x47: {  	_ =	shalt  }
0x48: {  	_ =	shalt  }
0x49: {  	_ =	shalt  }
0x4a: {  	_ =	shalt  }
0x4b: {  	_ =	shalt  }
0x4c: {  	_ =	shalt  }
0x4d: {  	_ =	shalt  }
0x4e: {  	_ =	shalt  }
0x4f: {  	_ =	shalt  }
0x50: {  	_ =	shalt  }
0x51: {  	_ =	shalt  }
0x52: {  	_ =	shalt  }
0x53: {  	_ =	shalt  }
0x54: {  	_ =	shalt  }
0x55: {  	_ =	shalt  }
0x56: {  	_ =	shalt  }
0x57: {  	_ =	shalt  }
0x58: {  	_ =	shalt  }
0x59: {  	_ =	shalt  }
0x5a: {  	_ =	shalt  }
0x5b: {  	_ =	shalt  }
0x5c: {  	_ =	shalt  }
0x5d: {  	_ =	shalt  }
0x5e: {  	_ =	shalt  }
0x5f: {  	_ =	shalt  }
0x60: {  	_ =	shalt  }
0x61: {  	_ =	shalt  }
0x62: {  	_ =	shalt  }
0x63: {  	_ =	shalt  }
0x64: {  	_ =	shalt  }
0x65: {  	_ =	shalt  }
0x66: {  	_ =	shalt  }
0x67: {  	_ =	shalt  }
0x68: {  	_ =	shalt  }
0x69: {  	_ =	shalt  }
0x6a: {  	_ =	shalt  }
0x6b: {  	_ =	shalt  }
0x6c: {  	_ =	shalt  }
0x6d: {  	_ =	shalt  }
0x6e: {  	_ =	shalt  }
0x6f: {  	_ =	shalt  }
0x70: {  	_ =	shalt  }
0x71: {  	_ =	shalt  }
0x72: {  	_ =	shalt  }
0x73: {  	_ =	shalt  }
0x74: {  	_ =	shalt  }
0x75: {  	_ =	shalt  }
0x76: {  	_ =	shalt  }
0x77: {  	_ =	shalt  }
0x78: {  	_ =	shalt  }
0x79: {  	_ =	shalt  }
0x7a: {  	_ =	shalt  }
0x7b: {  	_ =	shalt  }
0x7c: {  	_ =	shalt  }
0x7d: {  	_ =	shalt  }
0x7e: {  	_ =	shalt  }
0x7f: {  	_ =	shalt  }
0x80: {  	_ =	shalt  }
0x81: {  	_ =	shalt  }
0x82: {  	_ =	shalt  }
0x83: {  	_ =	shalt  }
0x84: {  	_ =	shalt  }
0x85: {  	_ =	shalt  }
0x86: {  	_ =	shalt  }
0x87: {  	_ =	shalt  }
.Lfunc_end0:
.L_simem_size_0:
called_computation_lowered:
.L_overlay_start_0:
0x88: {  	s2 =	sld [smem:$0x3FD9]  }
0x89: {  	s3 =	sld [smem:$0x3FFE];
	_ =	sdelay $0x1  }
0x8a: {  	s1 =	srdreg.scid  }
0x8b: {  	s0 =	sand.u32 $0x1, s1  }
0x8c: {  	s18 =	sshll.u32 s0, $0xA;
	s2 =	sadd.s32 s3, s2  }
0x8d: {  	s2 =	sadd.s32 s2, s18  }
0x8e: {  	[smem:$0x3FC6] =	sst s2  }
0x8f: {  	_ = 	snop  }
0x90: {  	s2 =	sld [smem:$0x3FC9]  }
0x91: {  	s19 =	sld [smem:$0x3FC8]  }
0x92: {  	s4 =	sld [smem:$0x3FD0];
	(tm) =	ssettm $0x1  }
0x93: {  	s5 =	sld [smem:$0x3FFB];
	_ =	sdelay $0x3  }
0x94: {  	_ =	strace s5  }
0x95: {  	s5 =	sld [smem:$0x3FFC];
	_ =	sdelay $0x3  }
0x96: {  	_ =	strace s5  }
0x97: {  	s5 =	sld [smem:$0x3FFD];
	_ =	sdelay $0x3  }
0x98: {  	_ =	strace s5  }
0x99: {  	_ =	strace $0x8FFFFFFF  }
0x9a: {  	s20 =	sld [smem:$0x3FDB];
	_ =	sdelay $0x1  }
0x9b: {  	s6 =	simm.s32 $_scs_section_size  }
0x9c: {  	s7 =	simm.s32 $_size__tile_overlayer_lowered;
	s8 =	simm.s32 $_tile_overlayer_lowered  }
0x9d: {  	s23 =	simm.s32 $0x1BFF;
	s22 =	sshll.u32 s8, $0x1;
	s5 =	sadd.s32 s6, s20  }
0x9e: {  	s9 =	simm.s32 $0x0;
	s21 =	sshll.u32 s7, $0x1;
	s7 =	sadd.s32 s22, s5  }
0x9f: {  	[timem:s9], [sflag:s23] =	dma.local [hbm:s7], s21  }
0xa0: {  	_ =	swait.ge [sflag:s23], s21  }
0xa1: {  	s6 =	ssub.s32 $0x0, s21;
	[sflag:s23] =	ssyncset.done $0x0  }
0xa2: {  	[sflag:s23] =	ssyncadd.s32 s6;
	_ =	sdelay $0x1  }
0xa3: {  	s24 =	simm.s32 $0x1B8B  }
0xa4: {  	_ =	swait.ge [sflag:s24], $0x1  }
0xa5: {  	[sflag:s24] =	ssyncset.done $0x0  }
0xa6: {  	s25 =	simm.s32 $0x1B8E;
	[sflag:s24] =	ssyncadd.s32 $0xFFFFFFFF  }
0xa7: {  	s26 =	simm.s32 $execute0_lowered;
	[smem:$0x3FD2] =	sst s25  }
0xa8: {  	s6 =	sshll.u32 s26, $0x1;
	_ =	strace $0x80000046;
	[dreg:$0x1] =	wrdreg $0xFFFFFFFF  }
0xa9: {  	s28 =	simm.s32 $_size_execute0_lowered;
	s5 =	sadd.s32 s5, s6;
	[dreg:$0x0] =	wrdreg $0x0  }
0xaa: {  	s6 =	sshll.u32 s28, $0x1;
	[dreg:$0x2] =	wrdreg s5  }
0xab: {  	[dreg:$0x3] =	wrdreg s6  }
0xac: {  	[dreg:$0x4] =	wrdreg $0xC0  }
0xad: {  	_ =	task [dreg:s9], $0x5FFFF  }
0xae: {  	[dreg:$0x1] =	wrdreg $0xFFFFFFFF  }
0xaf: {  	[dreg:$0x0] =	wrdreg $0x60  }
0xb0: {  	[dreg:$0x2] =	wrdreg s2  }
0xb1: {  	[dreg:$0x3] =	wrdreg s19  }
0xb2: {  	[dreg:$0x4] =	wrdreg s4  }
0xb3: {  	[dreg:$0x5] =	wrdreg $0x9  }
0xb4: {  	_ =	task.clear_ibuf [dreg:s9], $0x6FFFF;
	_ =	strace $0x90000046  }
0xb5: {  	s29 =	simm.s32 $0x9;
	_ =	strace $0x80000048  }
0xb6: {  	_ =	swait.ge [sflag:s29], $0x1  }
0xb7: {  	[sflag:s29] =	ssyncadd.s32 $0xFFFFFFFF  }
0xb8: {  	_ =	strace $0x90000048  }
0xb9: {  	_ =	sfence  }
0xba: {  	s30 =	sld [smem:$0x0];
	_ =	sdelay $0x2  }
0xbb: {  	s31 =	sshll.u32 s1, $0xD;
	s1 =	sshrl.u32 s1, $0x2  }
0xbc: {  	s3 =	sand.u32 $0x4000, s31;
	s1 =	sadd.s32 s1, s30  }
0xbd: {  	s0 =	sor.u32 s3, s0;
	s1 =	sshll.u32 s1, $0x11  }
0xbe: {  	s0 =	sor.u32 s1, s0  }
0xbf: {  	s0 =	sadd.s32 $0x8F2B, s0  }
0xc0: {  	[sflag:s0] =	ssyncadd.remote.s32 $0x1  }
0xc1: {  	_ =	sfence.sel $0xFFFF  }
0xc2: {  	[dreg:$0x0] =	wrdreg $0xFFFFFFFF;
	(pc) =	sbr.abs _section_cstart, $3  }
0xc3: {  	[dreg:$0x1] =	wrdreg $0xFFFFFFFF  }
0xc4: {  	_ =	task.clear_ibuf [dreg:s9], $0x2FFFF;
	_ =	strace $0x9FFFFFFF  }
0xc5: {  	(tm) =	ssettm $0x7FFFFFFF  }
tec
execute0_lowered:
.L_overlay_start_1:
0x0: {  	(tag) =	ssettag $0x1  }
0x1: {  	s1 =	rddreg [dreg:$0x0]  }
0x2: {  	s0 =	srdreg.scid;
	s2 =	rddreg [dreg:$0x1]  }
0x3: {  	s14 =	stileid.u32;
	s12 =	rddreg [dreg:$0x2];
	s19 =	simm.s32 $0x1  }
0x4: {  	s20 =	simm.s32 $0x8200;
	s18 =	simm.s32 $0x2;
	s28 =	simm.s32 $0xC200  }
0x5: {  	s17 =	simm.s32 $0xE200;
	s16 =	simm.s32 $0xFA00;
	s21 =	simm.s32 $0x3  }
0x6: {  	s22 =	simm.s32 $0x5;
	s23 =	simm.s32 $0x4;
	s24 =	simm.s32 $0x6  }
0x7: {  	s25 =	simm.s32 $0x0;
	s31 =	simm.s32 $0x200;
	s0 =	sand.u32 $0x1, s0  }
0x8: {  	s3 =	sshll.u32 s14, $0xA;
	s6 =	sshll.u32 s14, $0x5;
	s8 =	sadd.s32 $0x400, s2  }
0x9: {  	s9 =	sadd.s32 $0x500, s2;
	s10 =	sadd.s32 $0x600, s2;
	s11 =	sadd.s32 $0x700, s2  }
0xa: {  	s30 =	sshll.u32 s14, $0x12;
	s4 =	sshll.u32 s0, $0x9;
	s26 =	ssub.s32 $0x2, s0  }
0xb: {  	s0 =	sshll.u32 s0, $0x11;
	s4 =	sor.u32 s4, s3;
	s3 =	simm.s32 $0x0  }
0xc: {  	s7 =	sshrl.u32 s26, $0x1;
	s5 =	sshll.u32 s4, $0x2;
	[smem:$0x7FF] =	sst s3  }
0xd: {  	s13 =	ssub.s32 s26, s7;
	s7 =	sadd.s32 $0x300, s2;
	s4 =	sshll.u32 s4, $0x8  }
0xe: {  	s26 =	simm.s32 $0x4200;
	s5 =	sor.u32 s6, s5;
	_ =	strace $0x80000047  }
.Ltmp0:
0xf: {  	s6 =	sadd.s32 $0x200, s2;
	s5 =	sand.u32 $0x3980, s5;
	(pc) =	sbr.rel .LBB2_1-.Ltmp0, $4  }
0x10: {  	s29 =	smax.u32 s13, $0x1;
	s13 =	sadd.s32 s4, s12;
	s5 =	sshrl.u32 s5, $0x3  }
0x11: {  	v0 =	vlaneseq.u32;
	[dreg:$0x5] =	wrdreg s29;
	s15 =	sadd.s32 $0x1000, s13;
	s1 =	sadd.s32 s1, s5  }
0x12: {  	v1 =	vshrl.u32 v0, $0x3;
	s5 =	sadd.s32 $0x100, s2;
	[dreg:$0x4] =	wrdreg s1;
	s1 =	sadd.s32 s30, s12  }
0x13: {  	vm0 =	vmmov $0xffff;
	v0 =	vand.u32 $0x7, v0;
	v1 =	vmul.u32 $0x8, v1;
	s14 =	sadd.s32 s0, s1;
	s1 =	simm.s32 $0xEA00;
	s0 =	simm.s32 $0xF200  }
.LBB2_4:
0x14: {  	s4 =	simm.s32 $0x7  }
0x15: {  	_ =	swait.ge [sflag:s4], $0x4000  }
0x16: {  	[sflag:s4] =	ssyncset.done $0x0  }
0x17: {  	s12 =	simm.s32 $0x8;
	[sflag:s4] =	ssyncadd.s32 $0xFFFFC000  }
0x18: {  	_ =	swait.ge [sflag:s12], $0x4000  }
0x19: {  	s25 =	rddreg [dreg:$0x6]  }
0x1a: {  	s30 =	rddreg [dreg:$0x5];
	s25 =	sadd.s32 $0x1, s25  }
0x1b: {  	p0 =	sne.s32 s25, s30  }
.Ltmp1:
0x1c: {  	_ = 	snop;
	(pc) =	sbr.rel @!p0 .LBB2_5-.Ltmp1, $3  }
0x1d: {  	_ =	sdelay $0x1  }
0x1e: {  	[sflag:s12] =	ssyncset.done $0x0  }
0x1f: {  	[sflag:s12] =	ssyncadd.s32 $0xFFFFC000  }
.LBB2_1:
0x20: {  	s4 =	rddreg [dreg:$0x4];
	s12 =	simm.s32 $0x80;
	s30 =	simm.s32 $0x200  }
0x21: {  	[tilespmem:s3], [sflag:$0x9] =	stream.strided.gather [hbm4b:s4+s12], $0x200, s30, s12, $0x38;
	[tilespmem:$0x10200] =	vst v63  }
0x22: {  	[dreg:$0x6] =	wrdreg s25;
	s12 =	simm.s32 $0x9  }
0x23: {  	_ =	swait.ge [sflag:s12], $0x200  }
0x24: {  	[sflag:s12] =	ssyncset.done $0x0  }
0x25: {  	[sflag:s12] =	ssyncadd.s32 $0xFFFFFE00  }
0x26: {  	v2 =	vld.msk [tilespmem:$0x0], $0xff;
	_ =	sdelay $0x4  }
0x27: {  	v3 =	vshll.u32 v2, $0x4  }
0x28: {  	v2 =	vand.u32 $0x7, v2;
	v3 =	vand.u32 $0xFFFFFF80, v3  }
0x29: {  	v2 =	vor.u32 v2, v3  }
0x2a: {  	v2 =	vperm.xlane v2, v0;
	_ =	sdelay $0x1  }
0x2b: {  	v2 =	vadd.s32 v1, v2;
	_ =	sdelay $0x4  }
0x2c: {  	[tilespmem:s30], [sflag:$0x1] =	stream.indirect_vreg.gather [hbm4b:s2+s3], $0x80, v2, vm0, $0xb8;
	[tilespmem:$0x10200] =	vst v63  }
0x2d: {  	s29 =	simm.s32 $0xA00  }
0x2e: {  	[tilespmem:s29], [sflag:$0x1] =	stream.indirect_vreg.gather [hbm4b:s5+s3], $0x80, v2, vm0, $0xb8;
	[tilespmem:$0x10200] =	vst v63  }
0x2f: {  	s30 =	simm.s32 $0x1200  }
0x30: {  	[tilespmem:s30], [sflag:$0x1] =	stream.indirect_vreg.gather [hbm4b:s6+s3], $0x80, v2, vm0, $0xb8;
	[tilespmem:$0x10200] =	vst v63  }
0x31: {  	s12 =	simm.s32 $0x1A00  }
0x32: {  	[tilespmem:s12], [sflag:$0x1] =	stream.indirect_vreg.gather [hbm4b:s7+s3], $0x80, v2, vm0, $0xb8;
	[tilespmem:$0x10200] =	vst v63  }
0x33: {  	s25 =	simm.s32 $0x2200  }
0x34: {  	[tilespmem:s25], [sflag:$0x1] =	stream.indirect_vreg.gather [hbm4b:s8+s3], $0x80, v2, vm0, $0xb8;
	[tilespmem:$0x10200] =	vst v63  }
0x35: {  	s29 =	simm.s32 $0x2A00  }
0x36: {  	[tilespmem:s29], [sflag:$0x1] =	stream.indirect_vreg.gather [hbm4b:s9+s3], $0x80, v2, vm0, $0xb8;
	[tilespmem:$0x10200] =	vst v63  }
0x37: {  	s30 =	simm.s32 $0x3200  }
0x38: {  	[tilespmem:s30], [sflag:$0x1] =	stream.indirect_vreg.gather [hbm4b:s10+s3], $0x80, v2, vm0, $0xb8;
	[tilespmem:$0x10200] =	vst v63  }
0x39: {  	s12 =	simm.s32 $0x3A00  }
0x3a: {  	[tilespmem:s12], [sflag:$0x1] =	stream.indirect_vreg.gather [hbm4b:s11+s3], $0x80, v2, vm0, $0xb8;
	[tilespmem:$0x10200] =	vst v63  }
0x3b: {  	v2 =	vld.msk [tilespmem:$0x8], $0xff;
	_ =	sdelay $0x4  }
0x3c: {  	v3 =	vshll.u32 v2, $0x4  }
0x3d: {  	v2 =	vand.u32 $0x7, v2;
	v3 =	vand.u32 $0xFFFFFF80, v3  }
0x3e: {  	v2 =	vor.u32 v2, v3  }
0x3f: {  	v2 =	vperm.xlane v2, v0;
	_ =	sdelay $0x1  }
0x40: {  	v2 =	vadd.s32 v1, v2;
	_ =	sdelay $0x4  }
0x41: {  	[tilespmem:s26], [sflag:$0x2] =	stream.indirect_vreg.gather [hbm4b:s2+s3], $0x80, v2, vm0, $0xb8;
	[tilespmem:$0x10200] =	vst v63  }
0x42: {  	s25 =	simm.s32 $0x4A00  }
0x43: {  	[tilespmem:s25], [sflag:$0x2] =	stream.indirect_vreg.gather [hbm4b:s5+s3], $0x80, v2, vm0, $0xb8;
	[tilespmem:$0x10200] =	vst v63  }
0x44: {  	s29 =	simm.s32 $0x5200  }
0x45: {  	[tilespmem:s29], [sflag:$0x2] =	stream.indirect_vreg.gather [hbm4b:s6+s3], $0x80, v2, vm0, $0xb8;
	[tilespmem:$0x10200] =	vst v63  }
0x46: {  	s30 =	simm.s32 $0x5A00  }
0x47: {  	[tilespmem:s30], [sflag:$0x2] =	stream.indirect_vreg.gather [hbm4b:s7+s3], $0x80, v2, vm0, $0xb8;
	[tilespmem:$0x10200] =	vst v63  }
0x48: {  	s12 =	simm.s32 $0x6200  }
0x49: {  	[tilespmem:s12], [sflag:$0x2] =	stream.indirect_vreg.gather [hbm4b:s8+s3], $0x80, v2, vm0, $0xb8;
	[tilespmem:$0x10200] =	vst v63  }
0x4a: {  	s25 =	simm.s32 $0x6A00  }
0x4b: {  	[tilespmem:s25], [sflag:$0x2] =	stream.indirect_vreg.gather [hbm4b:s9+s3], $0x80, v2, vm0, $0xb8;
	[tilespmem:$0x10200] =	vst v63  }
0x4c: {  	s29 =	simm.s32 $0x7200  }
0x4d: {  	[tilespmem:s29], [sflag:$0x2] =	stream.indirect_vreg.gather [hbm4b:s10+s3], $0x80, v2, vm0, $0xb8;
	[tilespmem:$0x10200] =	vst v63  }
0x4e: {  	s4 =	simm.s32 $0x0;
	s30 =	simm.s32 $0x7A00;
	s25 =	simm.s32 $0x18  }
0x4f: {  	[tilespmem:s30], [sflag:$0x2] =	stream.indirect_vreg.gather [hbm4b:s11+s3], $0x80, v2, vm0, $0xb8;
	[tilespmem:$0x10200] =	vst v63  }
.LBB2_2:
0x50: {  	_ =	swait.ge [sflag:s19], $0x4000  }
0x51: {  	[sflag:s19] =	ssyncset.done $0x0  }
0x52: {  	s12 =	sadd.s32 s4, s14;
	p0 =	seq.s32 s4, $0x0;
	[sflag:s19] =	ssyncadd.s32 $0xFFFFC000  }
0x53: {  	[hbm4b:s12+s3] =	stream.linear.scatter [tilespmem:s31], [sflag:$0x5], $0x4000, $0x38;
	[tilespmem:$0x10200] =	vst v63  }
0x54: {  	s12 =	simm.s32 @!p0 $0x7  }
0x55: {  	_ =	swait.ge @!p0 [sflag:s12], $0x4000  }
0x56: {  	[sflag:s12] =	ssyncset.done @!p0 $0x0  }
0x57: {  	[sflag:s12] =	ssyncadd.s32 @!p0 $0xFFFFC000  }
0x58: {  	v2 =	vld.msk [tilespmem:s25+$0xFFFFFFF8], $0xff;
	_ =	sdelay $0x4  }
0x59: {  	v3 =	vshll.u32 v2, $0x4  }
0x5a: {  	v2 =	vand.u32 $0x7, v2;
	v3 =	vand.u32 $0xFFFFFF80, v3  }
0x5b: {  	v2 =	vor.u32 v2, v3  }
0x5c: {  	v2 =	vperm.xlane v2, v0;
	_ =	sdelay $0x1  }
0x5d: {  	v2 =	vadd.s32 v1, v2;
	_ =	sdelay $0x4  }
0x5e: {  	[tilespmem:s20], [sflag:$0x3] =	stream.indirect_vreg.gather [hbm4b:s2+s3], $0x80, v2, vm0, $0xb8;
	[tilespmem:$0x10200] =	vst v63  }
0x5f: {  	s29 =	simm.s32 $0x8A00  }
0x60: {  	[tilespmem:s29], [sflag:$0x3] =	stream.indirect_vreg.gather [hbm4b:s5+s3], $0x80, v2, vm0, $0xb8;
	[tilespmem:$0x10200] =	vst v63  }
0x61: {  	s30 =	simm.s32 $0x9200  }
0x62: {  	[tilespmem:s30], [sflag:$0x3] =	stream.indirect_vreg.gather [hbm4b:s6+s3], $0x80, v2, vm0, $0xb8;
	[tilespmem:$0x10200] =	vst v63  }
0x63: {  	s29 =	simm.s32 $0x9A00  }
0x64: {  	[tilespmem:s29], [sflag:$0x3] =	stream.indirect_vreg.gather [hbm4b:s7+s3], $0x80, v2, vm0, $0xb8;
	[tilespmem:$0x10200] =	vst v63  }
0x65: {  	s30 =	simm.s32 $0xA200  }
0x66: {  	[tilespmem:s30], [sflag:$0x3] =	stream.indirect_vreg.gather [hbm4b:s8+s3], $0x80, v2, vm0, $0xb8;
	[tilespmem:$0x10200] =	vst v63  }
0x67: {  	s29 =	simm.s32 $0xAA00  }
0x68: {  	[tilespmem:s29], [sflag:$0x3] =	stream.indirect_vreg.gather [hbm4b:s9+s3], $0x80, v2, vm0, $0xb8;
	[tilespmem:$0x10200] =	vst v63  }
0x69: {  	s30 =	simm.s32 $0xB200  }
0x6a: {  	[tilespmem:s30], [sflag:$0x3] =	stream.indirect_vreg.gather [hbm4b:s10+s3], $0x80, v2, vm0, $0xb8;
	[tilespmem:$0x10200] =	vst v63  }
0x6b: {  	s29 =	simm.s32 $0xBA00  }
0x6c: {  	[tilespmem:s29], [sflag:$0x3] =	stream.indirect_vreg.gather [hbm4b:s11+s3], $0x80, v2, vm0, $0xb8;
	[tilespmem:$0x10200] =	vst v63  }
0x6d: {  	_ =	swait.ge [sflag:s18], $0x4000  }
0x6e: {  	s12 =	sadd.s32 s4, s13;
	[sflag:s18] =	ssyncset.done $0x0  }
0x6f: {  	s29 =	sadd.s32 $0x800, s12;
	[sflag:s18] =	ssyncadd.s32 $0xFFFFC000  }
0x70: {  	[hbm4b:s29+s3] =	stream.linear.scatter [tilespmem:s26], [sflag:$0x6], $0x4000, $0x38;
	[tilespmem:$0x10200] =	vst v63  }
0x71: {  	s29 =	simm.s32 @!p0 $0x8  }
0x72: {  	_ =	swait.ge @!p0 [sflag:s29], $0x4000  }
0x73: {  	[sflag:s29] =	ssyncset.done @!p0 $0x0  }
0x74: {  	[sflag:s29] =	ssyncadd.s32 @!p0 $0xFFFFC000  }
0x75: {  	v2 =	vld.msk [tilespmem:s25+$0x0], $0xff;
	_ =	sdelay $0x4  }
0x76: {  	v3 =	vshll.u32 v2, $0x4  }
0x77: {  	v2 =	vand.u32 $0x7, v2;
	v3 =	vand.u32 $0xFFFFFF80, v3  }
0x78: {  	v2 =	vor.u32 v2, v3  }
0x79: {  	v2 =	vperm.xlane v2, v0;
	_ =	sdelay $0x1  }
0x7a: {  	v2 =	vadd.s32 v1, v2;
	_ =	sdelay $0x4  }
0x7b: {  	[tilespmem:s28], [sflag:$0x4] =	stream.indirect_vreg.gather [hbm4b:s2+s3], $0x80, v2, vm0, $0xb8;
	[tilespmem:$0x10200] =	vst v63  }
0x7c: {  	s30 =	simm.s32 $0xCA00  }
0x7d: {  	[tilespmem:s30], [sflag:$0x4] =	stream.indirect_vreg.gather [hbm4b:s5+s3], $0x80, v2, vm0, $0xb8;
	[tilespmem:$0x10200] =	vst v63  }
0x7e: {  	s30 =	simm.s32 $0xD200  }
0x7f: {  	[tilespmem:s30], [sflag:$0x4] =	stream.indirect_vreg.gather [hbm4b:s6+s3], $0x80, v2, vm0, $0xb8;
	[tilespmem:$0x10200] =	vst v63  }
0x80: {  	s30 =	simm.s32 $0xDA00  }
0x81: {  	[tilespmem:s30], [sflag:$0x4] =	stream.indirect_vreg.gather [hbm4b:s7+s3], $0x80, v2, vm0, $0xb8;
	[tilespmem:$0x10200] =	vst v63  }
0x82: {  	_ = 	snop  }
0x83: {  	[tilespmem:s17], [sflag:$0x4] =	stream.indirect_vreg.gather [hbm4b:s8+s3], $0x80, v2, vm0, $0xb8;
	[tilespmem:$0x10200] =	vst v63  }
0x84: {  	_ = 	snop  }
0x85: {  	[tilespmem:s1], [sflag:$0x4] =	stream.indirect_vreg.gather [hbm4b:s9+s3], $0x80, v2, vm0, $0xb8;
	[tilespmem:$0x10200] =	vst v63  }
0x86: {  	_ = 	snop  }
0x87: {  	[tilespmem:s0], [sflag:$0x4] =	stream.indirect_vreg.gather [hbm4b:s10+s3], $0x80, v2, vm0, $0xb8;
	[tilespmem:$0x10200] =	vst v63  }
0x88: {  	_ = 	snop  }
0x89: {  	[tilespmem:s16], [sflag:$0x4] =	stream.indirect_vreg.gather [hbm4b:s11+s3], $0x80, v2, vm0, $0xb8;
	[tilespmem:$0x10200] =	vst v63  }
0x8a: {  	_ =	swait.ge [sflag:s21], $0x4000  }
0x8b: {  	[sflag:s21] =	ssyncset.done $0x0  }
0x8c: {  	s30 =	sadd.s32 s4, s15;
	[sflag:s21] =	ssyncadd.s32 $0xFFFFC000  }
0x8d: {  	[hbm4b:s30+s3] =	stream.linear.scatter [tilespmem:s20], [sflag:$0x7], $0x4000, $0x38;
	[tilespmem:$0x10200] =	vst v63  }
0x8e: {  	_ =	swait.ge [sflag:s22], $0x4000  }
0x8f: {  	[sflag:s22] =	ssyncset.done $0x0  }
0x90: {  	p0 =	seq.s32 s4, $0x1E000;
	[sflag:s22] =	ssyncadd.s32 $0xFFFFC000  }
0x91: {  	v2 =	vld.msk @!p0 [tilespmem:s25+$0x8], $0xff;
	_ =	sdelay $0x4  }
0x92: {  	v3 =	vshll.u32 @!p0 v2, $0x4  }
0x93: {  	v4 =	vlaneseq.u32 @!p0;
	v2 =	vand.u32 @!p0 $0x7, v2;
	v3 =	vand.u32 @!p0 $0xFFFFFF80, v3  }
0x94: {  	v2 =	vor.u32 @!p0 v2, v3;
	v3 =	vand.u32 @!p0 $0x7, v4;
	v4 =	vshrl.u32 @!p0 v4, $0x3  }
0x95: {  	v2 =	vperm.xlane @!p0 v2, v3;
	v3 =	vmul.u32 @!p0 $0x8, v4;
	_ =	sdelay $0x1  }
0x96: {  	v2 =	vadd.s32 @!p0 v3, v2;
	_ =	sdelay $0x3  }
0x97: {  	vm1 =	vmmov @!p0 $0xffff;
	s29 =	simm.s32 @!p0 $0x0;
	s30 =	simm.s32 @!p0 $0x200  }
0x98: {  	[tilespmem:s30], [sflag:$0x1] =	stream.indirect_vreg.gather @!p0 [hbm4b:s2+s29], $0x80, v2, vm1, $0xb8;
	[tilespmem:$0x10200] =	vst v63  }
0x99: {  	s30 =	simm.s32 @!p0 $0xA00  }
0x9a: {  	[tilespmem:s30], [sflag:$0x1] =	stream.indirect_vreg.gather @!p0 [hbm4b:s5+s29], $0x80, v2, vm1, $0xb8;
	[tilespmem:$0x10200] =	vst v63  }
0x9b: {  	s30 =	simm.s32 @!p0 $0x1200  }
0x9c: {  	[tilespmem:s30], [sflag:$0x1] =	stream.indirect_vreg.gather @!p0 [hbm4b:s6+s29], $0x80, v2, vm1, $0xb8;
	[tilespmem:$0x10200] =	vst v63  }
0x9d: {  	s30 =	simm.s32 @!p0 $0x1A00  }
0x9e: {  	[tilespmem:s30], [sflag:$0x1] =	stream.indirect_vreg.gather @!p0 [hbm4b:s7+s29], $0x80, v2, vm1, $0xb8;
	[tilespmem:$0x10200] =	vst v63  }
0x9f: {  	s30 =	simm.s32 @!p0 $0x2200  }
0xa0: {  	[tilespmem:s30], [sflag:$0x1] =	stream.indirect_vreg.gather @!p0 [hbm4b:s8+s29], $0x80, v2, vm1, $0xb8;
	[tilespmem:$0x10200] =	vst v63  }
0xa1: {  	s30 =	simm.s32 @!p0 $0x2A00  }
0xa2: {  	[tilespmem:s30], [sflag:$0x1] =	stream.indirect_vreg.gather @!p0 [hbm4b:s9+s29], $0x80, v2, vm1, $0xb8;
	[tilespmem:$0x10200] =	vst v63  }
0xa3: {  	s30 =	simm.s32 @!p0 $0x3200  }
0xa4: {  	[tilespmem:s30], [sflag:$0x1] =	stream.indirect_vreg.gather @!p0 [hbm4b:s10+s29], $0x80, v2, vm1, $0xb8;
	[tilespmem:$0x10200] =	vst v63  }
0xa5: {  	s30 =	simm.s32 @!p0 $0x3A00  }
0xa6: {  	[tilespmem:s30], [sflag:$0x1] =	stream.indirect_vreg.gather @!p0 [hbm4b:s11+s29], $0x80, v2, vm1, $0xb8;
	[tilespmem:$0x10200] =	vst v63  }
0xa7: {  	_ =	swait.ge [sflag:s23], $0x4000  }
0xa8: {  	[sflag:s23] =	ssyncset.done $0x0  }
.Ltmp2:
0xa9: {  	s12 =	sadd.s32 $0x1800, s12;
	[sflag:s23] =	ssyncadd.s32 $0xFFFFC000;
	(pc) =	sbr.rel @p0 .LBB2_4-.Ltmp2, $4  }
0xaa: {  	[hbm4b:s12+s3] =	stream.linear.scatter [tilespmem:s28], [sflag:$0x8], $0x4000, $0x38;
	[tilespmem:$0x10200] =	vst v63  }
0xab: {  	_ =	swait.ge [sflag:s24], $0x4000  }
0xac: {  	[sflag:s24] =	ssyncset.done $0x0  }
0xad: {  	[sflag:s24] =	ssyncadd.s32 $0xFFFFC000  }
0xae: {  	v2 =	vld.msk [tilespmem:s25+$0x10], $0xff;
	_ =	sdelay $0x4  }
0xaf: {  	v3 =	vshll.u32 v2, $0x4  }
0xb0: {  	v2 =	vand.u32 $0x7, v2;
	v3 =	vand.u32 $0xFFFFFF80, v3  }
0xb1: {  	v2 =	vor.u32 v2, v3  }
0xb2: {  	v2 =	vperm.xlane v2, v0;
	_ =	sdelay $0x1  }
0xb3: {  	v2 =	vadd.s32 v1, v2;
	_ =	sdelay $0x4  }
0xb4: {  	[tilespmem:s26], [sflag:$0x2] =	stream.indirect_vreg.gather [hbm4b:s2+s3], $0x80, v2, vm0, $0xb8;
	[tilespmem:$0x10200] =	vst v63  }
0xb5: {  	s12 =	simm.s32 $0x4A00  }
0xb6: {  	[tilespmem:s12], [sflag:$0x2] =	stream.indirect_vreg.gather [hbm4b:s5+s3], $0x80, v2, vm0, $0xb8;
	[tilespmem:$0x10200] =	vst v63  }
0xb7: {  	s29 =	simm.s32 $0x5200  }
0xb8: {  	[tilespmem:s29], [sflag:$0x2] =	stream.indirect_vreg.gather [hbm4b:s6+s3], $0x80, v2, vm0, $0xb8;
	[tilespmem:$0x10200] =	vst v63  }
0xb9: {  	s30 =	simm.s32 $0x5A00  }
0xba: {  	[tilespmem:s30], [sflag:$0x2] =	stream.indirect_vreg.gather [hbm4b:s7+s3], $0x80, v2, vm0, $0xb8;
	[tilespmem:$0x10200] =	vst v63  }
0xbb: {  	s29 =	simm.s32 $0x6200  }
0xbc: {  	[tilespmem:s29], [sflag:$0x2] =	stream.indirect_vreg.gather [hbm4b:s8+s3], $0x80, v2, vm0, $0xb8;
	[tilespmem:$0x10200] =	vst v63  }
0xbd: {  	s30 =	simm.s32 $0x6A00  }
0xbe: {  	[tilespmem:s30], [sflag:$0x2] =	stream.indirect_vreg.gather [hbm4b:s9+s3], $0x80, v2, vm0, $0xb8;
	[tilespmem:$0x10200] =	vst v63  }
.Ltmp3:
0xbf: {  	_ = 	snop;
	(pc) =	sbr.rel .LBB2_2-.Ltmp3, $4  }
0xc0: {  	s29 =	simm.s32 $0x7200  }
0xc1: {  	[tilespmem:s29], [sflag:$0x2] =	stream.indirect_vreg.gather [hbm4b:s10+s3], $0x80, v2, vm0, $0xb8;
	[tilespmem:$0x10200] =	vst v63  }
0xc2: {  	s4 =	sadd.s32 $0x2000, s4;
	s25 =	sadd.s32 $0x20, s25;
	s30 =	simm.s32 $0x7A00  }
0xc3: {  	[tilespmem:s30], [sflag:$0x2] =	stream.indirect_vreg.gather [hbm4b:s11+s3], $0x80, v2, vm0, $0xb8;
	[tilespmem:$0x10200] =	vst v63  }
.LBB2_5:
0xc4: {  	_ =	sfence.sel $0x180000  }
0xc5: {  	[bflag:$0x0] =	sbarrier.arrive $0xFFFF  }
0xc6: {  	_ =	strace $0x90000047  }
0xc7: {  	s0 =	stileid.u32;
	[bflag:$0x2] =	sbarrier.arrive $0xFFFF  }
0xc8: {  	p0 =	sne.s32 s0, $0x0;
	s0 =	rddreg [dreg:$0x3]  }
0xc9: {  	s0 =	sadd.s32 @!p0 $0x100000, s0  }
0xca: {  	[sflag:s0] =	ssyncadd.tile.s32 @!p0 $0x1;
	_ =	shalt  }
.Lfunc_end2:
_tile_overlayer_lowered:
.L_overlay_start_2:
0xcb: {  	(tag) =	ssettag $0x2  }
0xcc: {  	s0 =	rddreg [dreg:$0x0];
	s2 =	stileid.u32  }
0xcd: {  	s1 =	rddreg [dreg:$0x1];
	p0 =	sne.s32 s2, $0x0  }
0xce: {  	s3 =	rddreg [dreg:$0x2];
	[bflag:$0x3] =	sbarrier.arrive $0xFFFF;
	s2 =	simm.s32 @!p0 $0x1C09  }
0xcf: {  	[timem:s3], [sflag:s2] =	dma.local @!p0 [hbm:s0], s1  }
0xd0: {  	s0 =	simm.s32 @!p0 $0x9  }
0xd1: {  	_ =	swait.ge @!p0 [sflag:s0], s1  }
0xd2: {  	s1 =	ssub.s32 @!p0 $0x0, s1;
	[sflag:s0] =	ssyncset.done @!p0 $0x0  }
0xd3: {  	[sflag:s0] =	ssyncadd.s32 @!p0 s1  }
0xd4: {  	[bflag:$0x3] =	sbarrier.arrive $0xFFFF  }
0xd5: {  	_ =	shalt  }

</sc_bundles>
